<compile_context>
chip_gen: v7x
topology: tpu7x:2x2x1
jax: 0.10.2.dev20260603
libtpu: 0.0.44.dev20260713+nightly
codegen_flags: <defaults>
</compile_context>

<pallas_src>
import functools

import jax
import jax.numpy as jnp
from jax import lax
from jax.experimental import pallas as pl
from jax.experimental.pallas import tpu as pltpu
from jax.experimental.pallas import tpu_sc as plsc

BATCH = 1000
FEAT = 12288

_SC_INFO = plsc.get_sparse_core_info()
_NC = _SC_INFO.num_cores
_NS = _SC_INFO.num_subcores
_NW = _NC * _NS
_PER_W = 40
_ACTIVE = BATCH // _PER_W


def _sc_gather_body(table_hbm, idx_hbm, out_hbm, idx_v, rows_v, sem):
    wid = lax.axis_index("s") * _NC + lax.axis_index("c")

    @pl.when(wid < _ACTIVE)
    def _():
        base = wid * _PER_W
        pltpu.sync_copy(idx_hbm.at[pl.ds(base, _PER_W)], idx_v)
        pltpu.async_copy(table_hbm.at[idx_v], rows_v, sem).wait()
        pltpu.sync_copy(rows_v, out_hbm.at[pl.ds(base, _PER_W)])


_sc_gather = functools.partial(
    pl.kernel,
    out_type=jax.ShapeDtypeStruct((BATCH,), jnp.float32),
    mesh=plsc.VectorSubcoreMesh(core_axis_name="c", subcore_axis_name="s"),
    scratch_types=[
        pltpu.VMEM((_PER_W,), jnp.int32),
        pltpu.VMEM((_PER_W,), jnp.float32),
        pltpu.SemaphoreType.DMA,
    ],
)(_sc_gather_body)


CH = 512
NCHUNK = FEAT // CH
NBUF = 4


def _fma_body(ac_t_ref, x0_hbm, nz_hbm, out_hbm,
              x0_buf, nz_buf, out_buf, x0_sem, nz_sem, out_sem):
    H = CH // 2

    def start_in(i, slot):
        for h in range(2):
            pltpu.make_async_copy(
                x0_hbm.at[pl.ds(i * CH + h * H, H), :],
                x0_buf.at[slot, pl.ds(h * H, H)],
                x0_sem.at[slot],
            ).start()
        for h in range(2):
            pltpu.make_async_copy(
                nz_hbm.at[pl.ds(i * CH + h * H, H), :],
                nz_buf.at[slot, pl.ds(h * H, H)],
                nz_sem.at[slot],
            ).start()

    def wait_in(i, slot):
        for h in range(2):
            pltpu.make_async_copy(
                x0_hbm.at[pl.ds(i * CH + h * H, H), :],
                x0_buf.at[slot, pl.ds(h * H, H)],
                x0_sem.at[slot],
            ).wait()
        for h in range(2):
            pltpu.make_async_copy(
                nz_hbm.at[pl.ds(i * CH + h * H, H), :],
                nz_buf.at[slot, pl.ds(h * H, H)],
                nz_sem.at[slot],
            ).wait()

    def out_start(i, slot):
        for h in range(2):
            pltpu.make_async_copy(
                out_buf.at[slot, pl.ds(h * H, H)],
                out_hbm.at[pl.ds(i * CH + h * H, H), :],
                out_sem.at[slot],
            ).start()

    def out_wait(i, slot):
        for h in range(2):
            pltpu.make_async_copy(
                out_buf.at[slot, pl.ds(h * H, H)],
                out_hbm.at[pl.ds(i * CH + h * H, H), :],
                out_sem.at[slot],
            ).wait()

    for s in range(NBUF):
        start_in(s, s)

    a = ac_t_ref[...]
    sa = jnp.sqrt(a)
    sb = jnp.sqrt(jnp.maximum(1.0 - a, 0.0))

    def body(i, carry):
        slot = lax.rem(i, NBUF)
        wait_in(i, slot)

        @pl.when(i >= NBUF)
        def _():
            out_wait(i - NBUF, slot)

        ov = out_buf.at[slot]
        ov[...] = sa * x0_buf[slot] + sb * nz_buf[slot]
        out_start(i, slot)

        @pl.when(i + NBUF < NCHUNK)
        def _():
            start_in(i + NBUF, slot)

        return carry

    lax.fori_loop(0, NCHUNK, body, 0)
    for k in range(NBUF):
        i = NCHUNK - NBUF + k
        out_wait(i, i % NBUF)


def kernel(x_0, timesteps, noise, alphas_cumprod):
    orig_shape = x_0.shape
    x0r = x_0.reshape(BATCH, FEAT).T
    nzr = noise.reshape(BATCH, FEAT).T
    ts = timesteps.astype(jnp.int32)
    ac = alphas_cumprod.astype(jnp.float32)

    ac_t = _sc_gather(ac, ts).reshape(1, BATCH)

    out = pl.pallas_call(
        _fma_body,
        in_specs=[
            pl.BlockSpec(memory_space=pltpu.VMEM),
            pl.BlockSpec(memory_space=pl.ANY),
            pl.BlockSpec(memory_space=pl.ANY),
        ],
        out_specs=pl.BlockSpec(memory_space=pl.ANY),
        out_shape=jax.ShapeDtypeStruct((FEAT, BATCH), jnp.float32),
        scratch_shapes=[
            pltpu.VMEM((NBUF, CH, BATCH), jnp.float32),
            pltpu.VMEM((NBUF, CH, BATCH), jnp.float32),
            pltpu.VMEM((NBUF, CH, BATCH), jnp.float32),
            pltpu.SemaphoreType.DMA((NBUF,)),
            pltpu.SemaphoreType.DMA((NBUF,)),
            pltpu.SemaphoreType.DMA((NBUF,)),
        ],
    )(ac_t, x0r, nzr)
    return out.T.reshape(orig_shape)

# --- scband reference (transcript-rebuilt; emitter-appended) ---
"""Pipeline reference for scband-ddpmdiffuser-44049184588131 (READ-ONLY COPY).

The authoritative reference and input builder live on the scoring server;
editing this copy changes nothing except your own understanding.
"""

import jax, jax.numpy as jnp
import numpy as np

TIMESTEPS = 1000

def cosine_beta_schedule(timesteps, s=0.008):
    steps = timesteps + 1
    t = jnp.linspace(0.0, float(timesteps), steps) / float(timesteps)
    alphas_cumprod = jnp.cos((t + s) / (1.0 + s) * jnp.pi * 0.5) ** 2
    alphas_cumprod = alphas_cumprod / alphas_cumprod[0]
    betas = 1.0 - (alphas_cumprod[1:] / alphas_cumprod[:-1])
    return jnp.clip(betas, 0.0, 0.999)

def setup_inputs(seed: int = 0) -> dict:
    key = jax.random.key(seed)
    k1, k2, k3 = jax.random.split(key, 3)
    x_0 = jax.random.normal(k1, (1000, 3, 64, 64), dtype=jnp.float32)
    timesteps = jax.random.randint(k2, (1000,), 0, TIMESTEPS).astype(jnp.int64)
    noise = jax.random.normal(k3, (1000, 3, 64, 64), dtype=jnp.float32)
    betas = cosine_beta_schedule(TIMESTEPS).astype(jnp.float32)
    alphas = 1.0 - betas
    alphas_cumprod = jnp.cumprod(alphas, axis=0)
    return {"x_0": x_0, "timesteps": timesteps, "noise": noise, "alphas_cumprod": alphas_cumprod}

def _extract(tensor, indices, shape):
    # Faithful to the torch code: batch_size read from the 1-D buffer's shape.
    batch_size = tensor.shape[0]
    out = jnp.take(tensor, indices, axis=-1)
    out = out.reshape((batch_size,) + (1,) * (len(shape) - 1))
    return out

def reference(x_0, timesteps, noise, alphas_cumprod):
    # q_sample: sample from q(x_t | x_0) - forward diffusion process
    alphas_cumprod_t = _extract(alphas_cumprod, timesteps, x_0.shape)
    x_t = jnp.sqrt(alphas_cumprod_t) * x_0 + jnp.sqrt(1.0 - alphas_cumprod_t) * noise
    return x_t

if __name__ == "__main__":
    import jax
    _d = setup_inputs()
    print(jax.jit(kernel)(*tuple(_d.values())))

</pallas_src>

<mosaic_0001>
#map = affine_map<(d0, d1) -> (0)>
module attributes {stable_mosaic.version = 14 : i64} {
  func.func @_sc_gather_body(%arg0: i32, %arg1: i32, %arg2: memref<1000xf32, #tpu.memory_space<hbm>>, %arg3: memref<1000xi32, #tpu.memory_space<hbm>>, %arg4: memref<1000xf32, #tpu.memory_space<hbm>>, %arg5: memref<40xi32, #tpu.memory_space<vmem>>, %arg6: memref<40xf32, #tpu.memory_space<vmem>>, %arg7: memref<!tpu.dma_semaphore, #tpu.memory_space<semaphore_mem>>) attributes {dimension_semantics = [#tpu.dimension_semantics<core_parallel>, #tpu.dimension_semantics<subcore_parallel>], iteration_bounds = array<i64: 2, 16>, scalar_prefetch = 0 : i64, scratch_operands = 3 : i64, tpu.core_type = #tpu.core_type<sc_vector_subcore>, window_params = [{transform_indices = #map}, {transform_indices = #map}, {transform_indices = #map}]} {
    %mul3A = arith.constant 2 : i32
    %mul3A_0 = arith.muli %arg1, %mul3A : i32
    %add3A = arith.addi %mul3A_0, %arg0 : i32
    %lt3A = arith.constant 25 : i32
    %lt3A_1 = arith.cmpi slt, %add3A, %lt3A : i32
    %convert_element_type3A = arith.extui %lt3A_1 : i1 to i32
    %cond3A = arith.constant 0 : i32
    %cond3A_2 = arith.cmpi ne, %convert_element_type3A, %cond3A : i32
    scf.if %cond3A_2 {
      %mul3A_3 = arith.constant 40 : i32
      %mul3A_4 = arith.muli %add3A, %mul3A_3 : i32
      "tpu.region"() ({
        %run_scoped3A = tpu.sem_alloc : memref<!tpu.dma_semaphore, #tpu.memory_space<semaphore_mem>>
        %dma_start3A_7 = tpu.memref_slice %arg3[%mul3A_4] : memref<1000xi32, #tpu.memory_space<hbm>> -> memref<40xi32, #tpu.memory_space<hbm>>
        %dma_start3A_8 = tpu.memref_slice %arg3[%mul3A_4] : memref<1000xi32, #tpu.memory_space<hbm>> -> memref<40xi32, #tpu.memory_space<hbm>>
        tpu.enqueue_dma source(%dma_start3A_8 : memref<40xi32, #tpu.memory_space<hbm>>) target(%arg5 : memref<40xi32, #tpu.memory_space<vmem>>) target_semaphore(%run_scoped3A : memref<!tpu.dma_semaphore, #tpu.memory_space<semaphore_mem>>)
        %dma_wait3A_9 = tpu.memref_slice %arg3[%mul3A_4] : memref<1000xi32, #tpu.memory_space<hbm>> -> memref<40xi32, #tpu.memory_space<hbm>>
        %dma_wait3A_10 = tpu.memref_slice %arg3[%mul3A_4] : memref<1000xi32, #tpu.memory_space<hbm>> -> memref<40xi32, #tpu.memory_space<hbm>>
        tpu.wait_dma2 semaphore(%run_scoped3A : memref<!tpu.dma_semaphore, #tpu.memory_space<semaphore_mem>>) src(%dma_wait3A_10 : memref<40xi32, #tpu.memory_space<hbm>>) dst(%arg5 : memref<40xi32, #tpu.memory_space<vmem>>)
        tpu.yield
      }) : () -> ()
      %dma_start3A = arith.constant 0 : i32
      %dma_start3A_5 = tpu.memref_slice %arg2[%dma_start3A] : memref<1000xf32, #tpu.memory_space<hbm>> -> memref<1000xf32, #tpu.memory_space<hbm>>
      tpu.enqueue_indirect_dma source(%dma_start3A_5 : memref<1000xf32, #tpu.memory_space<hbm>>) target(%arg6 : memref<40xf32, #tpu.memory_space<vmem>>) offsets(%arg5 : memref<40xi32, #tpu.memory_space<vmem>>) semaphore(%arg7 : memref<!tpu.dma_semaphore, #tpu.memory_space<semaphore_mem>>)
      %dma_wait3A = arith.constant 0 : i32
      %dma_wait3A_6 = tpu.memref_slice %arg2[%dma_wait3A] : memref<1000xf32, #tpu.memory_space<hbm>> -> memref<1000xf32, #tpu.memory_space<hbm>>
      tpu.wait_indirect_dma semaphore(%arg7 : memref<!tpu.dma_semaphore, #tpu.memory_space<semaphore_mem>>) src(%dma_wait3A_6 : memref<1000xf32, #tpu.memory_space<hbm>>) dst(%arg6 : memref<40xf32, #tpu.memory_space<vmem>>)
      "tpu.region"() ({
        %run_scoped3A = tpu.sem_alloc : memref<!tpu.dma_semaphore, #tpu.memory_space<semaphore_mem>>
        %dma_start3A_7 = tpu.memref_slice %arg4[%mul3A_4] : memref<1000xf32, #tpu.memory_space<hbm>> -> memref<40xf32, #tpu.memory_space<hbm>>
        %dma_start3A_8 = tpu.memref_slice %arg4[%mul3A_4] : memref<1000xf32, #tpu.memory_space<hbm>> -> memref<40xf32, #tpu.memory_space<hbm>>
        tpu.enqueue_dma source(%arg6 : memref<40xf32, #tpu.memory_space<vmem>>) target(%dma_start3A_8 : memref<40xf32, #tpu.memory_space<hbm>>) target_semaphore(%run_scoped3A : memref<!tpu.dma_semaphore, #tpu.memory_space<semaphore_mem>>)
        %dma_wait3A_9 = tpu.memref_slice %arg4[%mul3A_4] : memref<1000xf32, #tpu.memory_space<hbm>> -> memref<40xf32, #tpu.memory_space<hbm>>
        %dma_wait3A_10 = tpu.memref_slice %arg4[%mul3A_4] : memref<1000xf32, #tpu.memory_space<hbm>> -> memref<40xf32, #tpu.memory_space<hbm>>
        tpu.wait_dma2 semaphore(%run_scoped3A : memref<!tpu.dma_semaphore, #tpu.memory_space<semaphore_mem>>) src(%arg6 : memref<40xf32, #tpu.memory_space<vmem>>) dst(%dma_wait3A_10 : memref<40xf32, #tpu.memory_space<hbm>>)
        tpu.yield
      }) : () -> ()
    } else {
    }
    return
  }
}

module attributes {stable_mosaic.version = 14 : i64} {
  func.func @_fma_body(%arg0: memref<1x1000xf32, #tpu.memory_space<vmem>>, %arg1: memref<12288x1000xf32, #tpu.memory_space<any>>, %arg2: memref<12288x1000xf32, #tpu.memory_space<any>>, %arg3: memref<12288x1000xf32, #tpu.memory_space<any>>, %arg4: memref<4x512x1000xf32, #tpu.memory_space<vmem>>, %arg5: memref<4x512x1000xf32, #tpu.memory_space<vmem>>, %arg6: memref<4x512x1000xf32, #tpu.memory_space<vmem>>, %arg7: memref<4x!tpu.dma_semaphore, #tpu.memory_space<semaphore_mem>>, %arg8: memref<4x!tpu.dma_semaphore, #tpu.memory_space<semaphore_mem>>, %arg9: memref<4x!tpu.dma_semaphore, #tpu.memory_space<semaphore_mem>>) attributes {dimension_semantics = [], scalar_prefetch = 0 : i64, scratch_operands = 6 : i64, tpu.core_type = #tpu.core_type<tc>} {
    %dma_start3A = arith.constant 0 : i32
    %dma_start3A_0 = arith.constant 0 : i32
    %dma_start3A_1 = tpu.memref_slice %arg7[%dma_start3A_0] : memref<4x!tpu.dma_semaphore, #tpu.memory_space<semaphore_mem>> -> memref<1x!tpu.dma_semaphore, #tpu.memory_space<semaphore_mem>>
    %dma_start3A_2 = tpu.memref_squeeze %dma_start3A_1 : memref<1x!tpu.dma_semaphore, #tpu.memory_space<semaphore_mem>> -> memref<!tpu.dma_semaphore, #tpu.memory_space<semaphore_mem>>
    %dma_start3A_3 = arith.constant 0 : i32
    %dma_start3A_4 = arith.constant 0 : i32
    %dma_start3A_5 = tpu.memref_slice %arg4[%dma_start3A, %dma_start3A_3, %dma_start3A_4] : memref<4x512x1000xf32, #tpu.memory_space<vmem>> -> memref<1x256x1000xf32, #tpu.memory_space<vmem>>
    %dma_start3A_6 = tpu.memref_squeeze %dma_start3A_5 : memref<1x256x1000xf32, #tpu.memory_space<vmem>> -> memref<256x1000xf32, #tpu.memory_space<vmem>>
    %dma_start3A_7 = arith.constant 0 : i32
    %dma_start3A_8 = arith.constant 0 : i32
    %dma_start3A_9 = tpu.memref_slice %arg1[%dma_start3A_7, %dma_start3A_8] : memref<12288x1000xf32, #tpu.memory_space<any>> -> memref<256x1000xf32, #tpu.memory_space<any>>
    tpu.enqueue_dma source(%dma_start3A_9 : memref<256x1000xf32, #tpu.memory_space<any>>) target(%dma_start3A_6 : memref<256x1000xf32, #tpu.memory_space<vmem>>) target_semaphore(%dma_start3A_2 : memref<!tpu.dma_semaphore, #tpu.memory_space<semaphore_mem>>)
    %dma_start3A_10 = arith.constant 0 : i32
    %dma_start3A_11 = arith.constant 0 : i32
    %dma_start3A_12 = tpu.memref_slice %arg7[%dma_start3A_11] : memref<4x!tpu.dma_semaphore, #tpu.memory_space<semaphore_mem>> -> memref<1x!tpu.dma_semaphore, #tpu.memory_space<semaphore_mem>>
    %dma_start3A_13 = tpu.memref_squeeze %dma_start3A_12 : memref<1x!tpu.dma_semaphore, #tpu.memory_space<semaphore_mem>> -> memref<!tpu.dma_semaphore, #tpu.memory_space<semaphore_mem>>
    %dma_start3A_14 = arith.constant 256 : i32
    %dma_start3A_15 = arith.constant 0 : i32
    %dma_start3A_16 = tpu.memref_slice %arg4[%dma_start3A_10, %dma_start3A_14, %dma_start3A_15] : memref<4x512x1000xf32, #tpu.memory_space<vmem>> -> memref<1x256x1000xf32, #tpu.memory_space<vmem>>
    %dma_start3A_17 = tpu.memref_squeeze %dma_start3A_16 : memref<1x256x1000xf32, #tpu.memory_space<vmem>> -> memref<256x1000xf32, #tpu.memory_space<vmem>>
    %dma_start3A_18 = arith.constant 256 : i32
    %dma_start3A_19 = arith.constant 0 : i32
    %dma_start3A_20 = tpu.memref_slice %arg1[%dma_start3A_18, %dma_start3A_19] : memref<12288x1000xf32, #tpu.memory_space<any>> -> memref<256x1000xf32, #tpu.memory_space<any>>
    tpu.enqueue_dma source(%dma_start3A_20 : memref<256x1000xf32, #tpu.memory_space<any>>) target(%dma_start3A_17 : memref<256x1000xf32, #tpu.memory_space<vmem>>) target_semaphore(%dma_start3A_13 : memref<!tpu.dma_semaphore, #tpu.memory_space<semaphore_mem>>)
    %dma_start3A_21 = arith.constant 0 : i32
    %dma_start3A_22 = arith.constant 0 : i32
    %dma_start3A_23 = tpu.memref_slice %arg8[%dma_start3A_22] : memref<4x!tpu.dma_semaphore, #tpu.memory_space<semaphore_mem>> -> memref<1x!tpu.dma_semaphore, #tpu.memory_space<semaphore_mem>>
    %dma_start3A_24 = tpu.memref_squeeze %dma_start3A_23 : memref<1x!tpu.dma_semaphore, #tpu.memory_space<semaphore_mem>> -> memref<!tpu.dma_semaphore, #tpu.memory_space<semaphore_mem>>
    %dma_start3A_25 = arith.constant 0 : i32
    %dma_start3A_26 = arith.constant 0 : i32
    %dma_start3A_27 = tpu.memref_slice %arg5[%dma_start3A_21, %dma_start3A_25, %dma_start3A_26] : memref<4x512x1000xf32, #tpu.memory_space<vmem>> -> memref<1x256x1000xf32, #tpu.memory_space<vmem>>
    %dma_start3A_28 = tpu.memref_squeeze %dma_start3A_27 : memref<1x256x1000xf32, #tpu.memory_space<vmem>> -> memref<256x1000xf32, #tpu.memory_space<vmem>>
    %dma_start3A_29 = arith.constant 0 : i32
    %dma_start3A_30 = arith.constant 0 : i32
    %dma_start3A_31 = tpu.memref_slice %arg2[%dma_start3A_29, %dma_start3A_30] : memref<12288x1000xf32, #tpu.memory_space<any>> -> memref<256x1000xf32, #tpu.memory_space<any>>
    tpu.enqueue_dma source(%dma_start3A_31 : memref<256x1000xf32, #tpu.memory_space<any>>) target(%dma_start3A_28 : memref<256x1000xf32, #tpu.memory_space<vmem>>) target_semaphore(%dma_start3A_24 : memref<!tpu.dma_semaphore, #tpu.memory_space<semaphore_mem>>)
    %dma_start3A_32 = arith.constant 0 : i32
    %dma_start3A_33 = arith.constant 0 : i32
    %dma_start3A_34 = tpu.memref_slice %arg8[%dma_start3A_33] : memref<4x!tpu.dma_semaphore, #tpu.memory_space<semaphore_mem>> -> memref<1x!tpu.dma_semaphore, #tpu.memory_space<semaphore_mem>>
    %dma_start3A_35 = tpu.memref_squeeze %dma_start3A_34 : memref<1x!tpu.dma_semaphore, #tpu.memory_space<semaphore_mem>> -> memref<!tpu.dma_semaphore, #tpu.memory_space<semaphore_mem>>
    %dma_start3A_36 = arith.constant 256 : i32
    %dma_start3A_37 = arith.constant 0 : i32
    %dma_start3A_38 = tpu.memref_slice %arg5[%dma_start3A_32, %dma_start3A_36, %dma_start3A_37] : memref<4x512x1000xf32, #tpu.memory_space<vmem>> -> memref<1x256x1000xf32, #tpu.memory_space<vmem>>
    %dma_start3A_39 = tpu.memref_squeeze %dma_start3A_38 : memref<1x256x1000xf32, #tpu.memory_space<vmem>> -> memref<256x1000xf32, #tpu.memory_space<vmem>>
    %dma_start3A_40 = arith.constant 256 : i32
    %dma_start3A_41 = arith.constant 0 : i32
    %dma_start3A_42 = tpu.memref_slice %arg2[%dma_start3A_40, %dma_start3A_41] : memref<12288x1000xf32, #tpu.memory_space<any>> -> memref<256x1000xf32, #tpu.memory_space<any>>
    tpu.enqueue_dma source(%dma_start3A_42 : memref<256x1000xf32, #tpu.memory_space<any>>) target(%dma_start3A_39 : memref<256x1000xf32, #tpu.memory_space<vmem>>) target_semaphore(%dma_start3A_35 : memref<!tpu.dma_semaphore, #tpu.memory_space<semaphore_mem>>)
    %dma_start3A_43 = arith.constant 1 : i32
    %dma_start3A_44 = arith.constant 1 : i32
    %dma_start3A_45 = tpu.memref_slice %arg7[%dma_start3A_44] : memref<4x!tpu.dma_semaphore, #tpu.memory_space<semaphore_mem>> -> memref<1x!tpu.dma_semaphore, #tpu.memory_space<semaphore_mem>>
    %dma_start3A_46 = tpu.memref_squeeze %dma_start3A_45 : memref<1x!tpu.dma_semaphore, #tpu.memory_space<semaphore_mem>> -> memref<!tpu.dma_semaphore, #tpu.memory_space<semaphore_mem>>
    %dma_start3A_47 = arith.constant 0 : i32
    %dma_start3A_48 = arith.constant 0 : i32
    %dma_start3A_49 = tpu.memref_slice %arg4[%dma_start3A_43, %dma_start3A_47, %dma_start3A_48] : memref<4x512x1000xf32, #tpu.memory_space<vmem>> -> memref<1x256x1000xf32, #tpu.memory_space<vmem>>
    %dma_start3A_50 = tpu.memref_squeeze %dma_start3A_49 : memref<1x256x1000xf32, #tpu.memory_space<vmem>> -> memref<256x1000xf32, #tpu.memory_space<vmem>>
    %dma_start3A_51 = arith.constant 512 : i32
    %dma_start3A_52 = arith.constant 0 : i32
    %dma_start3A_53 = tpu.memref_slice %arg1[%dma_start3A_51, %dma_start3A_52] : memref<12288x1000xf32, #tpu.memory_space<any>> -> memref<256x1000xf32, #tpu.memory_space<any>>
    tpu.enqueue_dma source(%dma_start3A_53 : memref<256x1000xf32, #tpu.memory_space<any>>) target(%dma_start3A_50 : memref<256x1000xf32, #tpu.memory_space<vmem>>) target_semaphore(%dma_start3A_46 : memref<!tpu.dma_semaphore, #tpu.memory_space<semaphore_mem>>)
    %dma_start3A_54 = arith.constant 1 : i32
    %dma_start3A_55 = arith.constant 1 : i32
    %dma_start3A_56 = tpu.memref_slice %arg7[%dma_start3A_55] : memref<4x!tpu.dma_semaphore, #tpu.memory_space<semaphore_mem>> -> memref<1x!tpu.dma_semaphore, #tpu.memory_space<semaphore_mem>>
    %dma_start3A_57 = tpu.memref_squeeze %dma_start3A_56 : memref<1x!tpu.dma_semaphore, #tpu.memory_space<semaphore_mem>> -> memref<!tpu.dma_semaphore, #tpu.memory_space<semaphore_mem>>
    %dma_start3A_58 = arith.constant 256 : i32
    %dma_start3A_59 = arith.constant 0 : i32
    %dma_start3A_60 = tpu.memref_slice %arg4[%dma_start3A_54, %dma_start3A_58, %dma_start3A_59] : memref<4x512x1000xf32, #tpu.memory_space<vmem>> -> memref<1x256x1000xf32, #tpu.memory_space<vmem>>
    %dma_start3A_61 = tpu.memref_squeeze %dma_start3A_60 : memref<1x256x1000xf32, #tpu.memory_space<vmem>> -> memref<256x1000xf32, #tpu.memory_space<vmem>>
    %dma_start3A_62 = arith.constant 768 : i32
    %dma_start3A_63 = arith.constant 0 : i32
    %dma_start3A_64 = tpu.memref_slice %arg1[%dma_start3A_62, %dma_start3A_63] : memref<12288x1000xf32, #tpu.memory_space<any>> -> memref<256x1000xf32, #tpu.memory_space<any>>
    tpu.enqueue_dma source(%dma_start3A_64 : memref<256x1000xf32, #tpu.memory_space<any>>) target(%dma_start3A_61 : memref<256x1000xf32, #tpu.memory_space<vmem>>) target_semaphore(%dma_start3A_57 : memref<!tpu.dma_semaphore, #tpu.memory_space<semaphore_mem>>)
    %dma_start3A_65 = arith.constant 1 : i32
    %dma_start3A_66 = arith.constant 1 : i32
    %dma_start3A_67 = tpu.memref_slice %arg8[%dma_start3A_66] : memref<4x!tpu.dma_semaphore, #tpu.memory_space<semaphore_mem>> -> memref<1x!tpu.dma_semaphore, #tpu.memory_space<semaphore_mem>>
    %dma_start3A_68 = tpu.memref_squeeze %dma_start3A_67 : memref<1x!tpu.dma_semaphore, #tpu.memory_space<semaphore_mem>> -> memref<!tpu.dma_semaphore, #tpu.memory_space<semaphore_mem>>
    %dma_start3A_69 = arith.constant 0 : i32
    %dma_start3A_70 = arith.constant 0 : i32
    %dma_start3A_71 = tpu.memref_slice %arg5[%dma_start3A_65, %dma_start3A_69, %dma_start3A_70] : memref<4x512x1000xf32, #tpu.memory_space<vmem>> -> memref<1x256x1000xf32, #tpu.memory_space<vmem>>
    %dma_start3A_72 = tpu.memref_squeeze %dma_start3A_71 : memref<1x256x1000xf32, #tpu.memory_space<vmem>> -> memref<256x1000xf32, #tpu.memory_space<vmem>>
    %dma_start3A_73 = arith.constant 512 : i32
    %dma_start3A_74 = arith.constant 0 : i32
    %dma_start3A_75 = tpu.memref_slice %arg2[%dma_start3A_73, %dma_start3A_74] : memref<12288x1000xf32, #tpu.memory_space<any>> -> memref<256x1000xf32, #tpu.memory_space<any>>
    tpu.enqueue_dma source(%dma_start3A_75 : memref<256x1000xf32, #tpu.memory_space<any>>) target(%dma_start3A_72 : memref<256x1000xf32, #tpu.memory_space<vmem>>) target_semaphore(%dma_start3A_68 : memref<!tpu.dma_semaphore, #tpu.memory_space<semaphore_mem>>)
    %dma_start3A_76 = arith.constant 1 : i32
    %dma_start3A_77 = arith.constant 1 : i32
    %dma_start3A_78 = tpu.memref_slice %arg8[%dma_start3A_77] : memref<4x!tpu.dma_semaphore, #tpu.memory_space<semaphore_mem>> -> memref<1x!tpu.dma_semaphore, #tpu.memory_space<semaphore_mem>>
    %dma_start3A_79 = tpu.memref_squeeze %dma_start3A_78 : memref<1x!tpu.dma_semaphore, #tpu.memory_space<semaphore_mem>> -> memref<!tpu.dma_semaphore, #tpu.memory_space<semaphore_mem>>
    %dma_start3A_80 = arith.constant 256 : i32
    %dma_start3A_81 = arith.constant 0 : i32
    %dma_start3A_82 = tpu.memref_slice %arg5[%dma_start3A_76, %dma_start3A_80, %dma_start3A_81] : memref<4x512x1000xf32, #tpu.memory_space<vmem>> -> memref<1x256x1000xf32, #tpu.memory_space<vmem>>
    %dma_start3A_83 = tpu.memref_squeeze %dma_start3A_82 : memref<1x256x1000xf32, #tpu.memory_space<vmem>> -> memref<256x1000xf32, #tpu.memory_space<vmem>>
    %dma_start3A_84 = arith.constant 768 : i32
    %dma_start3A_85 = arith.constant 0 : i32
    %dma_start3A_86 = tpu.memref_slice %arg2[%dma_start3A_84, %dma_start3A_85] : memref<12288x1000xf32, #tpu.memory_space<any>> -> memref<256x1000xf32, #tpu.memory_space<any>>
    tpu.enqueue_dma source(%dma_start3A_86 : memref<256x1000xf32, #tpu.memory_space<any>>) target(%dma_start3A_83 : memref<256x1000xf32, #tpu.memory_space<vmem>>) target_semaphore(%dma_start3A_79 : memref<!tpu.dma_semaphore, #tpu.memory_space<semaphore_mem>>)
    %dma_start3A_87 = arith.constant 2 : i32
    %dma_start3A_88 = arith.constant 2 : i32
    %dma_start3A_89 = tpu.memref_slice %arg7[%dma_start3A_88] : memref<4x!tpu.dma_semaphore, #tpu.memory_space<semaphore_mem>> -> memref<1x!tpu.dma_semaphore, #tpu.memory_space<semaphore_mem>>
    %dma_start3A_90 = tpu.memref_squeeze %dma_start3A_89 : memref<1x!tpu.dma_semaphore, #tpu.memory_space<semaphore_mem>> -> memref<!tpu.dma_semaphore, #tpu.memory_space<semaphore_mem>>
    %dma_start3A_91 = arith.constant 0 : i32
    %dma_start3A_92 = arith.constant 0 : i32
    %dma_start3A_93 = tpu.memref_slice %arg4[%dma_start3A_87, %dma_start3A_91, %dma_start3A_92] : memref<4x512x1000xf32, #tpu.memory_space<vmem>> -> memref<1x256x1000xf32, #tpu.memory_space<vmem>>
    %dma_start3A_94 = tpu.memref_squeeze %dma_start3A_93 : memref<1x256x1000xf32, #tpu.memory_space<vmem>> -> memref<256x1000xf32, #tpu.memory_space<vmem>>
    %dma_start3A_95 = arith.constant 1024 : i32
    %dma_start3A_96 = arith.constant 0 : i32
    %dma_start3A_97 = tpu.memref_slice %arg1[%dma_start3A_95, %dma_start3A_96] : memref<12288x1000xf32, #tpu.memory_space<any>> -> memref<256x1000xf32, #tpu.memory_space<any>>
    tpu.enqueue_dma source(%dma_start3A_97 : memref<256x1000xf32, #tpu.memory_space<any>>) target(%dma_start3A_94 : memref<256x1000xf32, #tpu.memory_space<vmem>>) target_semaphore(%dma_start3A_90 : memref<!tpu.dma_semaphore, #tpu.memory_space<semaphore_mem>>)
    %dma_start3A_98 = arith.constant 2 : i32
    %dma_start3A_99 = arith.constant 2 : i32
    %dma_start3A_100 = tpu.memref_slice %arg7[%dma_start3A_99] : memref<4x!tpu.dma_semaphore, #tpu.memory_space<semaphore_mem>> -> memref<1x!tpu.dma_semaphore, #tpu.memory_space<semaphore_mem>>
    %dma_start3A_101 = tpu.memref_squeeze %dma_start3A_100 : memref<1x!tpu.dma_semaphore, #tpu.memory_space<semaphore_mem>> -> memref<!tpu.dma_semaphore, #tpu.memory_space<semaphore_mem>>
    %dma_start3A_102 = arith.constant 256 : i32
    %dma_start3A_103 = arith.constant 0 : i32
    %dma_start3A_104 = tpu.memref_slice %arg4[%dma_start3A_98, %dma_start3A_102, %dma_start3A_103] : memref<4x512x1000xf32, #tpu.memory_space<vmem>> -> memref<1x256x1000xf32, #tpu.memory_space<vmem>>
    %dma_start3A_105 = tpu.memref_squeeze %dma_start3A_104 : memref<1x256x1000xf32, #tpu.memory_space<vmem>> -> memref<256x1000xf32, #tpu.memory_space<vmem>>
    %dma_start3A_106 = arith.constant 1280 : i32
    %dma_start3A_107 = arith.constant 0 : i32
    %dma_start3A_108 = tpu.memref_slice %arg1[%dma_start3A_106, %dma_start3A_107] : memref<12288x1000xf32, #tpu.memory_space<any>> -> memref<256x1000xf32, #tpu.memory_space<any>>
    tpu.enqueue_dma source(%dma_start3A_108 : memref<256x1000xf32, #tpu.memory_space<any>>) target(%dma_start3A_105 : memref<256x1000xf32, #tpu.memory_space<vmem>>) target_semaphore(%dma_start3A_101 : memref<!tpu.dma_semaphore, #tpu.memory_space<semaphore_mem>>)
    %dma_start3A_109 = arith.constant 2 : i32
    %dma_start3A_110 = arith.constant 2 : i32
    %dma_start3A_111 = tpu.memref_slice %arg8[%dma_start3A_110] : memref<4x!tpu.dma_semaphore, #tpu.memory_space<semaphore_mem>> -> memref<1x!tpu.dma_semaphore, #tpu.memory_space<semaphore_mem>>
    %dma_start3A_112 = tpu.memref_squeeze %dma_start3A_111 : memref<1x!tpu.dma_semaphore, #tpu.memory_space<semaphore_mem>> -> memref<!tpu.dma_semaphore, #tpu.memory_space<semaphore_mem>>
    %dma_start3A_113 = arith.constant 0 : i32
    %dma_start3A_114 = arith.constant 0 : i32
    %dma_start3A_115 = tpu.memref_slice %arg5[%dma_start3A_109, %dma_start3A_113, %dma_start3A_114] : memref<4x512x1000xf32, #tpu.memory_space<vmem>> -> memref<1x256x1000xf32, #tpu.memory_space<vmem>>
    %dma_start3A_116 = tpu.memref_squeeze %dma_start3A_115 : memref<1x256x1000xf32, #tpu.memory_space<vmem>> -> memref<256x1000xf32, #tpu.memory_space<vmem>>
    %dma_start3A_117 = arith.constant 1024 : i32
    %dma_start3A_118 = arith.constant 0 : i32
    %dma_start3A_119 = tpu.memref_slice %arg2[%dma_start3A_117, %dma_start3A_118] : memref<12288x1000xf32, #tpu.memory_space<any>> -> memref<256x1000xf32, #tpu.memory_space<any>>
    tpu.enqueue_dma source(%dma_start3A_119 : memref<256x1000xf32, #tpu.memory_space<any>>) target(%dma_start3A_116 : memref<256x1000xf32, #tpu.memory_space<vmem>>) target_semaphore(%dma_start3A_112 : memref<!tpu.dma_semaphore, #tpu.memory_space<semaphore_mem>>)
    %dma_start3A_120 = arith.constant 2 : i32
    %dma_start3A_121 = arith.constant 2 : i32
    %dma_start3A_122 = tpu.memref_slice %arg8[%dma_start3A_121] : memref<4x!tpu.dma_semaphore, #tpu.memory_space<semaphore_mem>> -> memref<1x!tpu.dma_semaphore, #tpu.memory_space<semaphore_mem>>
    %dma_start3A_123 = tpu.memref_squeeze %dma_start3A_122 : memref<1x!tpu.dma_semaphore, #tpu.memory_space<semaphore_mem>> -> memref<!tpu.dma_semaphore, #tpu.memory_space<semaphore_mem>>
    %dma_start3A_124 = arith.constant 256 : i32
    %dma_start3A_125 = arith.constant 0 : i32
    %dma_start3A_126 = tpu.memref_slice %arg5[%dma_start3A_120, %dma_start3A_124, %dma_start3A_125] : memref<4x512x1000xf32, #tpu.memory_space<vmem>> -> memref<1x256x1000xf32, #tpu.memory_space<vmem>>
    %dma_start3A_127 = tpu.memref_squeeze %dma_start3A_126 : memref<1x256x1000xf32, #tpu.memory_space<vmem>> -> memref<256x1000xf32, #tpu.memory_space<vmem>>
    %dma_start3A_128 = arith.constant 1280 : i32
    %dma_start3A_129 = arith.constant 0 : i32
    %dma_start3A_130 = tpu.memref_slice %arg2[%dma_start3A_128, %dma_start3A_129] : memref<12288x1000xf32, #tpu.memory_space<any>> -> memref<256x1000xf32, #tpu.memory_space<any>>
    tpu.enqueue_dma source(%dma_start3A_130 : memref<256x1000xf32, #tpu.memory_space<any>>) target(%dma_start3A_127 : memref<256x1000xf32, #tpu.memory_space<vmem>>) target_semaphore(%dma_start3A_123 : memref<!tpu.dma_semaphore, #tpu.memory_space<semaphore_mem>>)
    %dma_start3A_131 = arith.constant 3 : i32
    %dma_start3A_132 = arith.constant 3 : i32
    %dma_start3A_133 = tpu.memref_slice %arg7[%dma_start3A_132] : memref<4x!tpu.dma_semaphore, #tpu.memory_space<semaphore_mem>> -> memref<1x!tpu.dma_semaphore, #tpu.memory_space<semaphore_mem>>
    %dma_start3A_134 = tpu.memref_squeeze %dma_start3A_133 : memref<1x!tpu.dma_semaphore, #tpu.memory_space<semaphore_mem>> -> memref<!tpu.dma_semaphore, #tpu.memory_space<semaphore_mem>>
    %dma_start3A_135 = arith.constant 0 : i32
    %dma_start3A_136 = arith.constant 0 : i32
    %dma_start3A_137 = tpu.memref_slice %arg4[%dma_start3A_131, %dma_start3A_135, %dma_start3A_136] : memref<4x512x1000xf32, #tpu.memory_space<vmem>> -> memref<1x256x1000xf32, #tpu.memory_space<vmem>>
    %dma_start3A_138 = tpu.memref_squeeze %dma_start3A_137 : memref<1x256x1000xf32, #tpu.memory_space<vmem>> -> memref<256x1000xf32, #tpu.memory_space<vmem>>
    %dma_start3A_139 = arith.constant 1536 : i32
    %dma_start3A_140 = arith.constant 0 : i32
    %dma_start3A_141 = tpu.memref_slice %arg1[%dma_start3A_139, %dma_start3A_140] : memref<12288x1000xf32, #tpu.memory_space<any>> -> memref<256x1000xf32, #tpu.memory_space<any>>
    tpu.enqueue_dma source(%dma_start3A_141 : memref<256x1000xf32, #tpu.memory_space<any>>) target(%dma_start3A_138 : memref<256x1000xf32, #tpu.memory_space<vmem>>) target_semaphore(%dma_start3A_134 : memref<!tpu.dma_semaphore, #tpu.memory_space<semaphore_mem>>)
    %dma_start3A_142 = arith.constant 3 : i32
    %dma_start3A_143 = arith.constant 3 : i32
    %dma_start3A_144 = tpu.memref_slice %arg7[%dma_start3A_143] : memref<4x!tpu.dma_semaphore, #tpu.memory_space<semaphore_mem>> -> memref<1x!tpu.dma_semaphore, #tpu.memory_space<semaphore_mem>>
    %dma_start3A_145 = tpu.memref_squeeze %dma_start3A_144 : memref<1x!tpu.dma_semaphore, #tpu.memory_space<semaphore_mem>> -> memref<!tpu.dma_semaphore, #tpu.memory_space<semaphore_mem>>
    %dma_start3A_146 = arith.constant 256 : i32
    %dma_start3A_147 = arith.constant 0 : i32
    %dma_start3A_148 = tpu.memref_slice %arg4[%dma_start3A_142, %dma_start3A_146, %dma_start3A_147] : memref<4x512x1000xf32, #tpu.memory_space<vmem>> -> memref<1x256x1000xf32, #tpu.memory_space<vmem>>
    %dma_start3A_149 = tpu.memref_squeeze %dma_start3A_148 : memref<1x256x1000xf32, #tpu.memory_space<vmem>> -> memref<256x1000xf32, #tpu.memory_space<vmem>>
    %dma_start3A_150 = arith.constant 1792 : i32
    %dma_start3A_151 = arith.constant 0 : i32
    %dma_start3A_152 = tpu.memref_slice %arg1[%dma_start3A_150, %dma_start3A_151] : memref<12288x1000xf32, #tpu.memory_space<any>> -> memref<256x1000xf32, #tpu.memory_space<any>>
    tpu.enqueue_dma source(%dma_start3A_152 : memref<256x1000xf32, #tpu.memory_space<any>>) target(%dma_start3A_149 : memref<256x1000xf32, #tpu.memory_space<vmem>>) target_semaphore(%dma_start3A_145 : memref<!tpu.dma_semaphore, #tpu.memory_space<semaphore_mem>>)
    %dma_start3A_153 = arith.constant 3 : i32
    %dma_start3A_154 = arith.constant 3 : i32
    %dma_start3A_155 = tpu.memref_slice %arg8[%dma_start3A_154] : memref<4x!tpu.dma_semaphore, #tpu.memory_space<semaphore_mem>> -> memref<1x!tpu.dma_semaphore, #tpu.memory_space<semaphore_mem>>
    %dma_start3A_156 = tpu.memref_squeeze %dma_start3A_155 : memref<1x!tpu.dma_semaphore, #tpu.memory_space<semaphore_mem>> -> memref<!tpu.dma_semaphore, #tpu.memory_space<semaphore_mem>>
    %dma_start3A_157 = arith.constant 0 : i32
    %dma_start3A_158 = arith.constant 0 : i32
    %dma_start3A_159 = tpu.memref_slice %arg5[%dma_start3A_153, %dma_start3A_157, %dma_start3A_158] : memref<4x512x1000xf32, #tpu.memory_space<vmem>> -> memref<1x256x1000xf32, #tpu.memory_space<vmem>>
    %dma_start3A_160 = tpu.memref_squeeze %dma_start3A_159 : memref<1x256x1000xf32, #tpu.memory_space<vmem>> -> memref<256x1000xf32, #tpu.memory_space<vmem>>
    %dma_start3A_161 = arith.constant 1536 : i32
    %dma_start3A_162 = arith.constant 0 : i32
    %dma_start3A_163 = tpu.memref_slice %arg2[%dma_start3A_161, %dma_start3A_162] : memref<12288x1000xf32, #tpu.memory_space<any>> -> memref<256x1000xf32, #tpu.memory_space<any>>
    tpu.enqueue_dma source(%dma_start3A_163 : memref<256x1000xf32, #tpu.memory_space<any>>) target(%dma_start3A_160 : memref<256x1000xf32, #tpu.memory_space<vmem>>) target_semaphore(%dma_start3A_156 : memref<!tpu.dma_semaphore, #tpu.memory_space<semaphore_mem>>)
    %dma_start3A_164 = arith.constant 3 : i32
    %dma_start3A_165 = arith.constant 3 : i32
    %dma_start3A_166 = tpu.memref_slice %arg8[%dma_start3A_165] : memref<4x!tpu.dma_semaphore, #tpu.memory_space<semaphore_mem>> -> memref<1x!tpu.dma_semaphore, #tpu.memory_space<semaphore_mem>>
    %dma_start3A_167 = tpu.memref_squeeze %dma_start3A_166 : memref<1x!tpu.dma_semaphore, #tpu.memory_space<semaphore_mem>> -> memref<!tpu.dma_semaphore, #tpu.memory_space<semaphore_mem>>
    %dma_start3A_168 = arith.constant 256 : i32
    %dma_start3A_169 = arith.constant 0 : i32
    %dma_start3A_170 = tpu.memref_slice %arg5[%dma_start3A_164, %dma_start3A_168, %dma_start3A_169] : memref<4x512x1000xf32, #tpu.memory_space<vmem>> -> memref<1x256x1000xf32, #tpu.memory_space<vmem>>
    %dma_start3A_171 = tpu.memref_squeeze %dma_start3A_170 : memref<1x256x1000xf32, #tpu.memory_space<vmem>> -> memref<256x1000xf32, #tpu.memory_space<vmem>>
    %dma_start3A_172 = arith.constant 1792 : i32
    %dma_start3A_173 = arith.constant 0 : i32
    %dma_start3A_174 = tpu.memref_slice %arg2[%dma_start3A_172, %dma_start3A_173] : memref<12288x1000xf32, #tpu.memory_space<any>> -> memref<256x1000xf32, #tpu.memory_space<any>>
    tpu.enqueue_dma source(%dma_start3A_174 : memref<256x1000xf32, #tpu.memory_space<any>>) target(%dma_start3A_171 : memref<256x1000xf32, #tpu.memory_space<vmem>>) target_semaphore(%dma_start3A_167 : memref<!tpu.dma_semaphore, #tpu.memory_space<semaphore_mem>>)
    %get3A = arith.constant 0 : index
    %get3A_175 = arith.constant 0 : index
    %get3A_176 = vector.load %arg0[%get3A, %get3A_175] : memref<1x1000xf32, #tpu.memory_space<vmem>>, vector<1x1000xf32>
    %sqrt3A = math.sqrt %get3A_176 : vector<1x1000xf32>
    %sub3A = arith.constant 1.000000e+00 : f32
    %sub3A_177 = vector.broadcast %sub3A : f32 to vector<1x1000xf32>
    %sub3A_178 = arith.subf %sub3A_177, %get3A_176 : vector<1x1000xf32>
    %max3A = arith.constant 0.000000e+00 : f32
    %max3A_179 = vector.broadcast %max3A : f32 to vector<1x1000xf32>
    %max3A_180 = arith.maximumf %sub3A_178, %max3A_179 : vector<1x1000xf32>
    %sqrt3A_181 = math.sqrt %max3A_180 : vector<1x1000xf32>
    %scan3A = arith.constant 0 : i32
    %scan3A_182 = arith.constant 24 : i32
    %scan3A_183 = arith.addi %scan3A, %scan3A_182 : i32
    %scan3A_184 = arith.constant 1 : i32
    scf.for %scan3A_273 = %scan3A to %scan3A_183 step %scan3A_184  : i32 {
      %rem3A = arith.constant 4 : i32
      %rem3A_274 = arith.remsi %scan3A_273, %rem3A : i32
      %mul3A = arith.constant 512 : i32
      %mul3A_275 = arith.muli %scan3A_273, %mul3A : i32
      %add3A = arith.constant 0 : i32
      %add3A_276 = arith.addi %mul3A_275, %add3A : i32
      %dma_wait3A_277 = tpu.memref_slice %arg7[%rem3A_274] : memref<4x!tpu.dma_semaphore, #tpu.memory_space<semaphore_mem>> -> memref<1x!tpu.dma_semaphore, #tpu.memory_space<semaphore_mem>>
      %dma_wait3A_278 = tpu.memref_squeeze %dma_wait3A_277 : memref<1x!tpu.dma_semaphore, #tpu.memory_space<semaphore_mem>> -> memref<!tpu.dma_semaphore, #tpu.memory_space<semaphore_mem>>
      %dma_wait3A_279 = arith.constant 0 : i32
      %dma_wait3A_280 = arith.constant 0 : i32
      %dma_wait3A_281 = tpu.memref_slice %arg4[%rem3A_274, %dma_wait3A_279, %dma_wait3A_280] : memref<4x512x1000xf32, #tpu.memory_space<vmem>> -> memref<1x256x1000xf32, #tpu.memory_space<vmem>>
      %dma_wait3A_282 = tpu.memref_squeeze %dma_wait3A_281 : memref<1x256x1000xf32, #tpu.memory_space<vmem>> -> memref<256x1000xf32, #tpu.memory_space<vmem>>
      %dma_wait3A_283 = arith.constant 0 : i32
      %dma_wait3A_284 = tpu.memref_slice %arg1[%add3A_276, %dma_wait3A_283] : memref<12288x1000xf32, #tpu.memory_space<any>> -> memref<256x1000xf32, #tpu.memory_space<any>>
      tpu.wait_dma2 semaphore(%dma_wait3A_278 : memref<!tpu.dma_semaphore, #tpu.memory_space<semaphore_mem>>) src(%dma_wait3A_284 : memref<256x1000xf32, #tpu.memory_space<any>>) dst(%dma_wait3A_282 : memref<256x1000xf32, #tpu.memory_space<vmem>>)
      %mul3A_285 = arith.constant 512 : i32
      %mul3A_286 = arith.muli %scan3A_273, %mul3A_285 : i32
      %add3A_287 = arith.constant 256 : i32
      %add3A_288 = arith.addi %mul3A_286, %add3A_287 : i32
      %dma_wait3A_289 = tpu.memref_slice %arg7[%rem3A_274] : memref<4x!tpu.dma_semaphore, #tpu.memory_space<semaphore_mem>> -> memref<1x!tpu.dma_semaphore, #tpu.memory_space<semaphore_mem>>
      %dma_wait3A_290 = tpu.memref_squeeze %dma_wait3A_289 : memref<1x!tpu.dma_semaphore, #tpu.memory_space<semaphore_mem>> -> memref<!tpu.dma_semaphore, #tpu.memory_space<semaphore_mem>>
      %dma_wait3A_291 = arith.constant 256 : i32
      %dma_wait3A_292 = arith.constant 0 : i32
      %dma_wait3A_293 = tpu.memref_slice %arg4[%rem3A_274, %dma_wait3A_291, %dma_wait3A_292] : memref<4x512x1000xf32, #tpu.memory_space<vmem>> -> memref<1x256x1000xf32, #tpu.memory_space<vmem>>
      %dma_wait3A_294 = tpu.memref_squeeze %dma_wait3A_293 : memref<1x256x1000xf32, #tpu.memory_space<vmem>> -> memref<256x1000xf32, #tpu.memory_space<vmem>>
      %dma_wait3A_295 = arith.constant 0 : i32
      %dma_wait3A_296 = tpu.memref_slice %arg1[%add3A_288, %dma_wait3A_295] : memref<12288x1000xf32, #tpu.memory_space<any>> -> memref<256x1000xf32, #tpu.memory_space<any>>
      tpu.wait_dma2 semaphore(%dma_wait3A_290 : memref<!tpu.dma_semaphore, #tpu.memory_space<semaphore_mem>>) src(%dma_wait3A_296 : memref<256x1000xf32, #tpu.memory_space<any>>) dst(%dma_wait3A_294 : memref<256x1000xf32, #tpu.memory_space<vmem>>)
      %mul3A_297 = arith.constant 512 : i32
      %mul3A_298 = arith.muli %scan3A_273, %mul3A_297 : i32
      %add3A_299 = arith.constant 0 : i32
      %add3A_300 = arith.addi %mul3A_298, %add3A_299 : i32
      %dma_wait3A_301 = tpu.memref_slice %arg8[%rem3A_274] : memref<4x!tpu.dma_semaphore, #tpu.memory_space<semaphore_mem>> -> memref<1x!tpu.dma_semaphore, #tpu.memory_space<semaphore_mem>>
      %dma_wait3A_302 = tpu.memref_squeeze %dma_wait3A_301 : memref<1x!tpu.dma_semaphore, #tpu.memory_space<semaphore_mem>> -> memref<!tpu.dma_semaphore, #tpu.memory_space<semaphore_mem>>
      %dma_wait3A_303 = arith.constant 0 : i32
      %dma_wait3A_304 = arith.constant 0 : i32
      %dma_wait3A_305 = tpu.memref_slice %arg5[%rem3A_274, %dma_wait3A_303, %dma_wait3A_304] : memref<4x512x1000xf32, #tpu.memory_space<vmem>> -> memref<1x256x1000xf32, #tpu.memory_space<vmem>>
      %dma_wait3A_306 = tpu.memref_squeeze %dma_wait3A_305 : memref<1x256x1000xf32, #tpu.memory_space<vmem>> -> memref<256x1000xf32, #tpu.memory_space<vmem>>
      %dma_wait3A_307 = arith.constant 0 : i32
      %dma_wait3A_308 = tpu.memref_slice %arg2[%add3A_300, %dma_wait3A_307] : memref<12288x1000xf32, #tpu.memory_space<any>> -> memref<256x1000xf32, #tpu.memory_space<any>>
      tpu.wait_dma2 semaphore(%dma_wait3A_302 : memref<!tpu.dma_semaphore, #tpu.memory_space<semaphore_mem>>) src(%dma_wait3A_308 : memref<256x1000xf32, #tpu.memory_space<any>>) dst(%dma_wait3A_306 : memref<256x1000xf32, #tpu.memory_space<vmem>>)
      %mul3A_309 = arith.constant 512 : i32
      %mul3A_310 = arith.muli %scan3A_273, %mul3A_309 : i32
      %add3A_311 = arith.constant 256 : i32
      %add3A_312 = arith.addi %mul3A_310, %add3A_311 : i32
      %dma_wait3A_313 = tpu.memref_slice %arg8[%rem3A_274] : memref<4x!tpu.dma_semaphore, #tpu.memory_space<semaphore_mem>> -> memref<1x!tpu.dma_semaphore, #tpu.memory_space<semaphore_mem>>
      %dma_wait3A_314 = tpu.memref_squeeze %dma_wait3A_313 : memref<1x!tpu.dma_semaphore, #tpu.memory_space<semaphore_mem>> -> memref<!tpu.dma_semaphore, #tpu.memory_space<semaphore_mem>>
      %dma_wait3A_315 = arith.constant 256 : i32
      %dma_wait3A_316 = arith.constant 0 : i32
      %dma_wait3A_317 = tpu.memref_slice %arg5[%rem3A_274, %dma_wait3A_315, %dma_wait3A_316] : memref<4x512x1000xf32, #tpu.memory_space<vmem>> -> memref<1x256x1000xf32, #tpu.memory_space<vmem>>
      %dma_wait3A_318 = tpu.memref_squeeze %dma_wait3A_317 : memref<1x256x1000xf32, #tpu.memory_space<vmem>> -> memref<256x1000xf32, #tpu.memory_space<vmem>>
      %dma_wait3A_319 = arith.constant 0 : i32
      %dma_wait3A_320 = tpu.memref_slice %arg2[%add3A_312, %dma_wait3A_319] : memref<12288x1000xf32, #tpu.memory_space<any>> -> memref<256x1000xf32, #tpu.memory_space<any>>
      tpu.wait_dma2 semaphore(%dma_wait3A_314 : memref<!tpu.dma_semaphore, #tpu.memory_space<semaphore_mem>>) src(%dma_wait3A_320 : memref<256x1000xf32, #tpu.memory_space<any>>) dst(%dma_wait3A_318 : memref<256x1000xf32, #tpu.memory_space<vmem>>)
      %ge3A = arith.constant 4 : i32
      %ge3A_321 = arith.cmpi sge, %scan3A_273, %ge3A : i32
      %convert_element_type3A = arith.extui %ge3A_321 : i1 to i32
      %cond3A = arith.constant 0 : i32
      %cond3A_322 = arith.cmpi ne, %convert_element_type3A, %cond3A : i32
      scf.if %cond3A_322 {
        %sub3A_373 = arith.constant 4 : i32
        %sub3A_374 = arith.subi %scan3A_273, %sub3A_373 : i32
        %mul3A_375 = arith.constant 512 : i32
        %mul3A_376 = arith.muli %sub3A_374, %mul3A_375 : i32
        %add3A_377 = arith.constant 0 : i32
        %add3A_378 = arith.addi %mul3A_376, %add3A_377 : i32
        %dma_wait3A_379 = tpu.memref_slice %arg9[%rem3A_274] : memref<4x!tpu.dma_semaphore, #tpu.memory_space<semaphore_mem>> -> memref<1x!tpu.dma_semaphore, #tpu.memory_space<semaphore_mem>>
        %dma_wait3A_380 = tpu.memref_squeeze %dma_wait3A_379 : memref<1x!tpu.dma_semaphore, #tpu.memory_space<semaphore_mem>> -> memref<!tpu.dma_semaphore, #tpu.memory_space<semaphore_mem>>
        %dma_wait3A_381 = arith.constant 0 : i32
        %dma_wait3A_382 = tpu.memref_slice %arg3[%add3A_378, %dma_wait3A_381] : memref<12288x1000xf32, #tpu.memory_space<any>> -> memref<256x1000xf32, #tpu.memory_space<any>>
        %dma_wait3A_383 = arith.constant 0 : i32
        %dma_wait3A_384 = arith.constant 0 : i32
        %dma_wait3A_385 = tpu.memref_slice %arg6[%rem3A_274, %dma_wait3A_383, %dma_wait3A_384] : memref<4x512x1000xf32, #tpu.memory_space<vmem>> -> memref<1x256x1000xf32, #tpu.memory_space<vmem>>
        %dma_wait3A_386 = tpu.memref_squeeze %dma_wait3A_385 : memref<1x256x1000xf32, #tpu.memory_space<vmem>> -> memref<256x1000xf32, #tpu.memory_space<vmem>>
        tpu.wait_dma2 semaphore(%dma_wait3A_380 : memref<!tpu.dma_semaphore, #tpu.memory_space<semaphore_mem>>) src(%dma_wait3A_386 : memref<256x1000xf32, #tpu.memory_space<vmem>>) dst(%dma_wait3A_382 : memref<256x1000xf32, #tpu.memory_space<any>>)
        %mul3A_387 = arith.constant 512 : i32
        %mul3A_388 = arith.muli %sub3A_374, %mul3A_387 : i32
        %add3A_389 = arith.constant 256 : i32
        %add3A_390 = arith.addi %mul3A_388, %add3A_389 : i32
        %dma_wait3A_391 = tpu.memref_slice %arg9[%rem3A_274] : memref<4x!tpu.dma_semaphore, #tpu.memory_space<semaphore_mem>> -> memref<1x!tpu.dma_semaphore, #tpu.memory_space<semaphore_mem>>
        %dma_wait3A_392 = tpu.memref_squeeze %dma_wait3A_391 : memref<1x!tpu.dma_semaphore, #tpu.memory_space<semaphore_mem>> -> memref<!tpu.dma_semaphore, #tpu.memory_space<semaphore_mem>>
        %dma_wait3A_393 = arith.constant 0 : i32
        %dma_wait3A_394 = tpu.memref_slice %arg3[%add3A_390, %dma_wait3A_393] : memref<12288x1000xf32, #tpu.memory_space<any>> -> memref<256x1000xf32, #tpu.memory_space<any>>
        %dma_wait3A_395 = arith.constant 256 : i32
        %dma_wait3A_396 = arith.constant 0 : i32
        %dma_wait3A_397 = tpu.memref_slice %arg6[%rem3A_274, %dma_wait3A_395, %dma_wait3A_396] : memref<4x512x1000xf32, #tpu.memory_space<vmem>> -> memref<1x256x1000xf32, #tpu.memory_space<vmem>>
        %dma_wait3A_398 = tpu.memref_squeeze %dma_wait3A_397 : memref<1x256x1000xf32, #tpu.memory_space<vmem>> -> memref<256x1000xf32, #tpu.memory_space<vmem>>
        tpu.wait_dma2 semaphore(%dma_wait3A_392 : memref<!tpu.dma_semaphore, #tpu.memory_space<semaphore_mem>>) src(%dma_wait3A_398 : memref<256x1000xf32, #tpu.memory_space<vmem>>) dst(%dma_wait3A_394 : memref<256x1000xf32, #tpu.memory_space<any>>)
      } else {
      }
      %get3A_323 = arith.index_cast %rem3A_274 : i32 to index
      %get3A_324 = arith.constant 0 : index
      %get3A_325 = arith.constant 0 : index
      %get3A_326 = vector.load %arg4[%get3A_323, %get3A_324, %get3A_325] : memref<4x512x1000xf32, #tpu.memory_space<vmem>>, vector<1x512x1000xf32>
      %get3A_327 = vector.shape_cast %get3A_326 : vector<1x512x1000xf32> to vector<512x1000xf32>
      %mul3A_328 = vector.broadcast %sqrt3A : vector<1x1000xf32> to vector<512x1000xf32>
      %mul3A_329 = arith.mulf %mul3A_328, %get3A_327 : vector<512x1000xf32>
      %get3A_330 = arith.index_cast %rem3A_274 : i32 to index
      %get3A_331 = arith.constant 0 : index
      %get3A_332 = arith.constant 0 : index
      %get3A_333 = vector.load %arg5[%get3A_330, %get3A_331, %get3A_332] : memref<4x512x1000xf32, #tpu.memory_space<vmem>>, vector<1x512x1000xf32>
      %get3A_334 = vector.shape_cast %get3A_333 : vector<1x512x1000xf32> to vector<512x1000xf32>
      %mul3A_335 = vector.broadcast %sqrt3A_181 : vector<1x1000xf32> to vector<512x1000xf32>
      %mul3A_336 = arith.mulf %mul3A_335, %get3A_334 : vector<512x1000xf32>
      %add3A_337 = arith.addf %mul3A_329, %mul3A_336 : vector<512x1000xf32>
      %swap3A = arith.index_cast %rem3A_274 : i32 to index
      %swap3A_338 = arith.constant 0 : index
      %swap3A_339 = arith.constant 0 : index
      %swap3A_340 = vector.load %arg6[%swap3A, %swap3A_338, %swap3A_339] : memref<4x512x1000xf32, #tpu.memory_space<vmem>>, vector<1x512x1000xf32>
      %swap3A_341 = vector.shape_cast %swap3A_340 : vector<1x512x1000xf32> to vector<512x1000xf32>
      %swap3A_342 = vector.shape_cast %add3A_337 : vector<512x1000xf32> to vector<1x512x1000xf32>
      tpu.vector_store %arg6[%swap3A, %swap3A_338, %swap3A_339], %swap3A_342 {strides = array<i32>} : memref<4x512x1000xf32, #tpu.memory_space<vmem>>, vector<1x512x1000xf32>,
      %mul3A_343 = arith.constant 512 : i32
      %mul3A_344 = arith.muli %scan3A_273, %mul3A_343 : i32
      %add3A_345 = arith.constant 0 : i32
      %add3A_346 = arith.addi %mul3A_344, %add3A_345 : i32
      %dma_start3A_347 = tpu.memref_slice %arg9[%rem3A_274] : memref<4x!tpu.dma_semaphore, #tpu.memory_space<semaphore_mem>> -> memref<1x!tpu.dma_semaphore, #tpu.memory_space<semaphore_mem>>
      %dma_start3A_348 = tpu.memref_squeeze %dma_start3A_347 : memref<1x!tpu.dma_semaphore, #tpu.memory_space<semaphore_mem>> -> memref<!tpu.dma_semaphore, #tpu.memory_space<semaphore_mem>>
      %dma_start3A_349 = arith.constant 0 : i32
      %dma_start3A_350 = tpu.memref_slice %arg3[%add3A_346, %dma_start3A_349] : memref<12288x1000xf32, #tpu.memory_space<any>> -> memref<256x1000xf32, #tpu.memory_space<any>>
      %dma_start3A_351 = arith.constant 0 : i32
      %dma_start3A_352 = arith.constant 0 : i32
      %dma_start3A_353 = tpu.memref_slice %arg6[%rem3A_274, %dma_start3A_351, %dma_start3A_352] : memref<4x512x1000xf32, #tpu.memory_space<vmem>> -> memref<1x256x1000xf32, #tpu.memory_space<vmem>>
      %dma_start3A_354 = tpu.memref_squeeze %dma_start3A_353 : memref<1x256x1000xf32, #tpu.memory_space<vmem>> -> memref<256x1000xf32, #tpu.memory_space<vmem>>
      tpu.enqueue_dma source(%dma_start3A_354 : memref<256x1000xf32, #tpu.memory_space<vmem>>) target(%dma_start3A_350 : memref<256x1000xf32, #tpu.memory_space<any>>) target_semaphore(%dma_start3A_348 : memref<!tpu.dma_semaphore, #tpu.memory_space<semaphore_mem>>)
      %mul3A_355 = arith.constant 512 : i32
      %mul3A_356 = arith.muli %scan3A_273, %mul3A_355 : i32
      %add3A_357 = arith.constant 256 : i32
      %add3A_358 = arith.addi %mul3A_356, %add3A_357 : i32
      %dma_start3A_359 = tpu.memref_slice %arg9[%rem3A_274] : memref<4x!tpu.dma_semaphore, #tpu.memory_space<semaphore_mem>> -> memref<1x!tpu.dma_semaphore, #tpu.memory_space<semaphore_mem>>
      %dma_start3A_360 = tpu.memref_squeeze %dma_start3A_359 : memref<1x!tpu.dma_semaphore, #tpu.memory_space<semaphore_mem>> -> memref<!tpu.dma_semaphore, #tpu.memory_space<semaphore_mem>>
      %dma_start3A_361 = arith.constant 0 : i32
      %dma_start3A_362 = tpu.memref_slice %arg3[%add3A_358, %dma_start3A_361] : memref<12288x1000xf32, #tpu.memory_space<any>> -> memref<256x1000xf32, #tpu.memory_space<any>>
      %dma_start3A_363 = arith.constant 256 : i32
      %dma_start3A_364 = arith.constant 0 : i32
      %dma_start3A_365 = tpu.memref_slice %arg6[%rem3A_274, %dma_start3A_363, %dma_start3A_364] : memref<4x512x1000xf32, #tpu.memory_space<vmem>> -> memref<1x256x1000xf32, #tpu.memory_space<vmem>>
      %dma_start3A_366 = tpu.memref_squeeze %dma_start3A_365 : memref<1x256x1000xf32, #tpu.memory_space<vmem>> -> memref<256x1000xf32, #tpu.memory_space<vmem>>
      tpu.enqueue_dma source(%dma_start3A_366 : memref<256x1000xf32, #tpu.memory_space<vmem>>) target(%dma_start3A_362 : memref<256x1000xf32, #tpu.memory_space<any>>) target_semaphore(%dma_start3A_360 : memref<!tpu.dma_semaphore, #tpu.memory_space<semaphore_mem>>)
      %add3A_367 = arith.constant 4 : i32
      %add3A_368 = arith.addi %scan3A_273, %add3A_367 : i32
      %lt3A = arith.constant 24 : i32
      %lt3A_369 = arith.cmpi slt, %add3A_368, %lt3A : i32
      %convert_element_type3A_370 = arith.extui %lt3A_369 : i1 to i32
      %cond3A_371 = arith.constant 0 : i32
      %cond3A_372 = arith.cmpi ne, %convert_element_type3A_370, %cond3A_371 : i32
      scf.if %cond3A_372 {
        %add3A_373 = arith.constant 4 : i32
        %add3A_374 = arith.addi %scan3A_273, %add3A_373 : i32
        %mul3A_375 = arith.constant 512 : i32
        %mul3A_376 = arith.muli %add3A_374, %mul3A_375 : i32
        %add3A_377 = arith.constant 0 : i32
        %add3A_378 = arith.addi %mul3A_376, %add3A_377 : i32
        %dma_start3A_379 = tpu.memref_slice %arg7[%rem3A_274] : memref<4x!tpu.dma_semaphore, #tpu.memory_space<semaphore_mem>> -> memref<1x!tpu.dma_semaphore, #tpu.memory_space<semaphore_mem>>
        %dma_start3A_380 = tpu.memref_squeeze %dma_start3A_379 : memref<1x!tpu.dma_semaphore, #tpu.memory_space<semaphore_mem>> -> memref<!tpu.dma_semaphore, #tpu.memory_space<semaphore_mem>>
        %dma_start3A_381 = arith.constant 0 : i32
        %dma_start3A_382 = arith.constant 0 : i32
        %dma_start3A_383 = tpu.memref_slice %arg4[%rem3A_274, %dma_start3A_381, %dma_start3A_382] : memref<4x512x1000xf32, #tpu.memory_space<vmem>> -> memref<1x256x1000xf32, #tpu.memory_space<vmem>>
        %dma_start3A_384 = tpu.memref_squeeze %dma_start3A_383 : memref<1x256x1000xf32, #tpu.memory_space<vmem>> -> memref<256x1000xf32, #tpu.memory_space<vmem>>
        %dma_start3A_385 = arith.constant 0 : i32
        %dma_start3A_386 = tpu.memref_slice %arg1[%add3A_378, %dma_start3A_385] : memref<12288x1000xf32, #tpu.memory_space<any>> -> memref<256x1000xf32, #tpu.memory_space<any>>
        tpu.enqueue_dma source(%dma_start3A_386 : memref<256x1000xf32, #tpu.memory_space<any>>) target(%dma_start3A_384 : memref<256x1000xf32, #tpu.memory_space<vmem>>) target_semaphore(%dma_start3A_380 : memref<!tpu.dma_semaphore, #tpu.memory_space<semaphore_mem>>)
        %mul3A_387 = arith.constant 512 : i32
        %mul3A_388 = arith.muli %add3A_374, %mul3A_387 : i32
        %add3A_389 = arith.constant 256 : i32
        %add3A_390 = arith.addi %mul3A_388, %add3A_389 : i32
        %dma_start3A_391 = tpu.memref_slice %arg7[%rem3A_274] : memref<4x!tpu.dma_semaphore, #tpu.memory_space<semaphore_mem>> -> memref<1x!tpu.dma_semaphore, #tpu.memory_space<semaphore_mem>>
        %dma_start3A_392 = tpu.memref_squeeze %dma_start3A_391 : memref<1x!tpu.dma_semaphore, #tpu.memory_space<semaphore_mem>> -> memref<!tpu.dma_semaphore, #tpu.memory_space<semaphore_mem>>
        %dma_start3A_393 = arith.constant 256 : i32
        %dma_start3A_394 = arith.constant 0 : i32
        %dma_start3A_395 = tpu.memref_slice %arg4[%rem3A_274, %dma_start3A_393, %dma_start3A_394] : memref<4x512x1000xf32, #tpu.memory_space<vmem>> -> memref<1x256x1000xf32, #tpu.memory_space<vmem>>
        %dma_start3A_396 = tpu.memref_squeeze %dma_start3A_395 : memref<1x256x1000xf32, #tpu.memory_space<vmem>> -> memref<256x1000xf32, #tpu.memory_space<vmem>>
        %dma_start3A_397 = arith.constant 0 : i32
        %dma_start3A_398 = tpu.memref_slice %arg1[%add3A_390, %dma_start3A_397] : memref<12288x1000xf32, #tpu.memory_space<any>> -> memref<256x1000xf32, #tpu.memory_space<any>>
        tpu.enqueue_dma source(%dma_start3A_398 : memref<256x1000xf32, #tpu.memory_space<any>>) target(%dma_start3A_396 : memref<256x1000xf32, #tpu.memory_space<vmem>>) target_semaphore(%dma_start3A_392 : memref<!tpu.dma_semaphore, #tpu.memory_space<semaphore_mem>>)
        %mul3A_399 = arith.constant 512 : i32
        %mul3A_400 = arith.muli %add3A_374, %mul3A_399 : i32
        %add3A_401 = arith.constant 0 : i32
        %add3A_402 = arith.addi %mul3A_400, %add3A_401 : i32
        %dma_start3A_403 = tpu.memref_slice %arg8[%rem3A_274] : memref<4x!tpu.dma_semaphore, #tpu.memory_space<semaphore_mem>> -> memref<1x!tpu.dma_semaphore, #tpu.memory_space<semaphore_mem>>
        %dma_start3A_404 = tpu.memref_squeeze %dma_start3A_403 : memref<1x!tpu.dma_semaphore, #tpu.memory_space<semaphore_mem>> -> memref<!tpu.dma_semaphore, #tpu.memory_space<semaphore_mem>>
        %dma_start3A_405 = arith.constant 0 : i32
        %dma_start3A_406 = arith.constant 0 : i32
        %dma_start3A_407 = tpu.memref_slice %arg5[%rem3A_274, %dma_start3A_405, %dma_start3A_406] : memref<4x512x1000xf32, #tpu.memory_space<vmem>> -> memref<1x256x1000xf32, #tpu.memory_space<vmem>>
        %dma_start3A_408 = tpu.memref_squeeze %dma_start3A_407 : memref<1x256x1000xf32, #tpu.memory_space<vmem>> -> memref<256x1000xf32, #tpu.memory_space<vmem>>
        %dma_start3A_409 = arith.constant 0 : i32
        %dma_start3A_410 = tpu.memref_slice %arg2[%add3A_402, %dma_start3A_409] : memref<12288x1000xf32, #tpu.memory_space<any>> -> memref<256x1000xf32, #tpu.memory_space<any>>
        tpu.enqueue_dma source(%dma_start3A_410 : memref<256x1000xf32, #tpu.memory_space<any>>) target(%dma_start3A_408 : memref<256x1000xf32, #tpu.memory_space<vmem>>) target_semaphore(%dma_start3A_404 : memref<!tpu.dma_semaphore, #tpu.memory_space<semaphore_mem>>)
        %mul3A_411 = arith.constant 512 : i32
        %mul3A_412 = arith.muli %add3A_374, %mul3A_411 : i32
        %add3A_413 = arith.constant 256 : i32
        %add3A_414 = arith.addi %mul3A_412, %add3A_413 : i32
        %dma_start3A_415 = tpu.memref_slice %arg8[%rem3A_274] : memref<4x!tpu.dma_semaphore, #tpu.memory_space<semaphore_mem>> -> memref<1x!tpu.dma_semaphore, #tpu.memory_space<semaphore_mem>>
        %dma_start3A_416 = tpu.memref_squeeze %dma_start3A_415 : memref<1x!tpu.dma_semaphore, #tpu.memory_space<semaphore_mem>> -> memref<!tpu.dma_semaphore, #tpu.memory_space<semaphore_mem>>
        %dma_start3A_417 = arith.constant 256 : i32
        %dma_start3A_418 = arith.constant 0 : i32
        %dma_start3A_419 = tpu.memref_slice %arg5[%rem3A_274, %dma_start3A_417, %dma_start3A_418] : memref<4x512x1000xf32, #tpu.memory_space<vmem>> -> memref<1x256x1000xf32, #tpu.memory_space<vmem>>
        %dma_start3A_420 = tpu.memref_squeeze %dma_start3A_419 : memref<1x256x1000xf32, #tpu.memory_space<vmem>> -> memref<256x1000xf32, #tpu.memory_space<vmem>>
        %dma_start3A_421 = arith.constant 0 : i32
        %dma_start3A_422 = tpu.memref_slice %arg2[%add3A_414, %dma_start3A_421] : memref<12288x1000xf32, #tpu.memory_space<any>> -> memref<256x1000xf32, #tpu.memory_space<any>>
        tpu.enqueue_dma source(%dma_start3A_422 : memref<256x1000xf32, #tpu.memory_space<any>>) target(%dma_start3A_420 : memref<256x1000xf32, #tpu.memory_space<vmem>>) target_semaphore(%dma_start3A_416 : memref<!tpu.dma_semaphore, #tpu.memory_space<semaphore_mem>>)
      } else {
      }
    }
    %scan3A_185 = arith.constant 24 : i32
    %dma_wait3A = arith.constant 0 : i32
    %dma_wait3A_186 = arith.constant 0 : i32
    %dma_wait3A_187 = tpu.memref_slice %arg9[%dma_wait3A_186] : memref<4x!tpu.dma_semaphore, #tpu.memory_space<semaphore_mem>> -> memref<1x!tpu.dma_semaphore, #tpu.memory_space<semaphore_mem>>
    %dma_wait3A_188 = tpu.memref_squeeze %dma_wait3A_187 : memref<1x!tpu.dma_semaphore, #tpu.memory_space<semaphore_mem>> -> memref<!tpu.dma_semaphore, #tpu.memory_space<semaphore_mem>>
    %dma_wait3A_189 = arith.constant 10240 : i32
    %dma_wait3A_190 = arith.constant 0 : i32
    %dma_wait3A_191 = tpu.memref_slice %arg3[%dma_wait3A_189, %dma_wait3A_190] : memref<12288x1000xf32, #tpu.memory_space<any>> -> memref<256x1000xf32, #tpu.memory_space<any>>
    %dma_wait3A_192 = arith.constant 0 : i32
    %dma_wait3A_193 = arith.constant 0 : i32
    %dma_wait3A_194 = tpu.memref_slice %arg6[%dma_wait3A, %dma_wait3A_192, %dma_wait3A_193] : memref<4x512x1000xf32, #tpu.memory_space<vmem>> -> memref<1x256x1000xf32, #tpu.memory_space<vmem>>
    %dma_wait3A_195 = tpu.memref_squeeze %dma_wait3A_194 : memref<1x256x1000xf32, #tpu.memory_space<vmem>> -> memref<256x1000xf32, #tpu.memory_space<vmem>>
    tpu.wait_dma2 semaphore(%dma_wait3A_188 : memref<!tpu.dma_semaphore, #tpu.memory_space<semaphore_mem>>) src(%dma_wait3A_195 : memref<256x1000xf32, #tpu.memory_space<vmem>>) dst(%dma_wait3A_191 : memref<256x1000xf32, #tpu.memory_space<any>>)
    %dma_wait3A_196 = arith.constant 0 : i32
    %dma_wait3A_197 = arith.constant 0 : i32
    %dma_wait3A_198 = tpu.memref_slice %arg9[%dma_wait3A_197] : memref<4x!tpu.dma_semaphore, #tpu.memory_space<semaphore_mem>> -> memref<1x!tpu.dma_semaphore, #tpu.memory_space<semaphore_mem>>
    %dma_wait3A_199 = tpu.memref_squeeze %dma_wait3A_198 : memref<1x!tpu.dma_semaphore, #tpu.memory_space<semaphore_mem>> -> memref<!tpu.dma_semaphore, #tpu.memory_space<semaphore_mem>>
    %dma_wait3A_200 = arith.constant 10496 : i32
    %dma_wait3A_201 = arith.constant 0 : i32
    %dma_wait3A_202 = tpu.memref_slice %arg3[%dma_wait3A_200, %dma_wait3A_201] : memref<12288x1000xf32, #tpu.memory_space<any>> -> memref<256x1000xf32, #tpu.memory_space<any>>
    %dma_wait3A_203 = arith.constant 256 : i32
    %dma_wait3A_204 = arith.constant 0 : i32
    %dma_wait3A_205 = tpu.memref_slice %arg6[%dma_wait3A_196, %dma_wait3A_203, %dma_wait3A_204] : memref<4x512x1000xf32, #tpu.memory_space<vmem>> -> memref<1x256x1000xf32, #tpu.memory_space<vmem>>
    %dma_wait3A_206 = tpu.memref_squeeze %dma_wait3A_205 : memref<1x256x1000xf32, #tpu.memory_space<vmem>> -> memref<256x1000xf32, #tpu.memory_space<vmem>>
    tpu.wait_dma2 semaphore(%dma_wait3A_199 : memref<!tpu.dma_semaphore, #tpu.memory_space<semaphore_mem>>) src(%dma_wait3A_206 : memref<256x1000xf32, #tpu.memory_space<vmem>>) dst(%dma_wait3A_202 : memref<256x1000xf32, #tpu.memory_space<any>>)
    %dma_wait3A_207 = arith.constant 1 : i32
    %dma_wait3A_208 = arith.constant 1 : i32
    %dma_wait3A_209 = tpu.memref_slice %arg9[%dma_wait3A_208] : memref<4x!tpu.dma_semaphore, #tpu.memory_space<semaphore_mem>> -> memref<1x!tpu.dma_semaphore, #tpu.memory_space<semaphore_mem>>
    %dma_wait3A_210 = tpu.memref_squeeze %dma_wait3A_209 : memref<1x!tpu.dma_semaphore, #tpu.memory_space<semaphore_mem>> -> memref<!tpu.dma_semaphore, #tpu.memory_space<semaphore_mem>>
    %dma_wait3A_211 = arith.constant 10752 : i32
    %dma_wait3A_212 = arith.constant 0 : i32
    %dma_wait3A_213 = tpu.memref_slice %arg3[%dma_wait3A_211, %dma_wait3A_212] : memref<12288x1000xf32, #tpu.memory_space<any>> -> memref<256x1000xf32, #tpu.memory_space<any>>
    %dma_wait3A_214 = arith.constant 0 : i32
    %dma_wait3A_215 = arith.constant 0 : i32
    %dma_wait3A_216 = tpu.memref_slice %arg6[%dma_wait3A_207, %dma_wait3A_214, %dma_wait3A_215] : memref<4x512x1000xf32, #tpu.memory_space<vmem>> -> memref<1x256x1000xf32, #tpu.memory_space<vmem>>
    %dma_wait3A_217 = tpu.memref_squeeze %dma_wait3A_216 : memref<1x256x1000xf32, #tpu.memory_space<vmem>> -> memref<256x1000xf32, #tpu.memory_space<vmem>>
    tpu.wait_dma2 semaphore(%dma_wait3A_210 : memref<!tpu.dma_semaphore, #tpu.memory_space<semaphore_mem>>) src(%dma_wait3A_217 : memref<256x1000xf32, #tpu.memory_space<vmem>>) dst(%dma_wait3A_213 : memref<256x1000xf32, #tpu.memory_space<any>>)
    %dma_wait3A_218 = arith.constant 1 : i32
    %dma_wait3A_219 = arith.constant 1 : i32
    %dma_wait3A_220 = tpu.memref_slice %arg9[%dma_wait3A_219] : memref<4x!tpu.dma_semaphore, #tpu.memory_space<semaphore_mem>> -> memref<1x!tpu.dma_semaphore, #tpu.memory_space<semaphore_mem>>
    %dma_wait3A_221 = tpu.memref_squeeze %dma_wait3A_220 : memref<1x!tpu.dma_semaphore, #tpu.memory_space<semaphore_mem>> -> memref<!tpu.dma_semaphore, #tpu.memory_space<semaphore_mem>>
    %dma_wait3A_222 = arith.constant 11008 : i32
    %dma_wait3A_223 = arith.constant 0 : i32
    %dma_wait3A_224 = tpu.memref_slice %arg3[%dma_wait3A_222, %dma_wait3A_223] : memref<12288x1000xf32, #tpu.memory_space<any>> -> memref<256x1000xf32, #tpu.memory_space<any>>
    %dma_wait3A_225 = arith.constant 256 : i32
    %dma_wait3A_226 = arith.constant 0 : i32
    %dma_wait3A_227 = tpu.memref_slice %arg6[%dma_wait3A_218, %dma_wait3A_225, %dma_wait3A_226] : memref<4x512x1000xf32, #tpu.memory_space<vmem>> -> memref<1x256x1000xf32, #tpu.memory_space<vmem>>
    %dma_wait3A_228 = tpu.memref_squeeze %dma_wait3A_227 : memref<1x256x1000xf32, #tpu.memory_space<vmem>> -> memref<256x1000xf32, #tpu.memory_space<vmem>>
    tpu.wait_dma2 semaphore(%dma_wait3A_221 : memref<!tpu.dma_semaphore, #tpu.memory_space<semaphore_mem>>) src(%dma_wait3A_228 : memref<256x1000xf32, #tpu.memory_space<vmem>>) dst(%dma_wait3A_224 : memref<256x1000xf32, #tpu.memory_space<any>>)
    %dma_wait3A_229 = arith.constant 2 : i32
    %dma_wait3A_230 = arith.constant 2 : i32
    %dma_wait3A_231 = tpu.memref_slice %arg9[%dma_wait3A_230] : memref<4x!tpu.dma_semaphore, #tpu.memory_space<semaphore_mem>> -> memref<1x!tpu.dma_semaphore, #tpu.memory_space<semaphore_mem>>
    %dma_wait3A_232 = tpu.memref_squeeze %dma_wait3A_231 : memref<1x!tpu.dma_semaphore, #tpu.memory_space<semaphore_mem>> -> memref<!tpu.dma_semaphore, #tpu.memory_space<semaphore_mem>>
    %dma_wait3A_233 = arith.constant 11264 : i32
    %dma_wait3A_234 = arith.constant 0 : i32
    %dma_wait3A_235 = tpu.memref_slice %arg3[%dma_wait3A_233, %dma_wait3A_234] : memref<12288x1000xf32, #tpu.memory_space<any>> -> memref<256x1000xf32, #tpu.memory_space<any>>
    %dma_wait3A_236 = arith.constant 0 : i32
    %dma_wait3A_237 = arith.constant 0 : i32
    %dma_wait3A_238 = tpu.memref_slice %arg6[%dma_wait3A_229, %dma_wait3A_236, %dma_wait3A_237] : memref<4x512x1000xf32, #tpu.memory_space<vmem>> -> memref<1x256x1000xf32, #tpu.memory_space<vmem>>
    %dma_wait3A_239 = tpu.memref_squeeze %dma_wait3A_238 : memref<1x256x1000xf32, #tpu.memory_space<vmem>> -> memref<256x1000xf32, #tpu.memory_space<vmem>>
    tpu.wait_dma2 semaphore(%dma_wait3A_232 : memref<!tpu.dma_semaphore, #tpu.memory_space<semaphore_mem>>) src(%dma_wait3A_239 : memref<256x1000xf32, #tpu.memory_space<vmem>>) dst(%dma_wait3A_235 : memref<256x1000xf32, #tpu.memory_space<any>>)
    %dma_wait3A_240 = arith.constant 2 : i32
    %dma_wait3A_241 = arith.constant 2 : i32
    %dma_wait3A_242 = tpu.memref_slice %arg9[%dma_wait3A_241] : memref<4x!tpu.dma_semaphore, #tpu.memory_space<semaphore_mem>> -> memref<1x!tpu.dma_semaphore, #tpu.memory_space<semaphore_mem>>
    %dma_wait3A_243 = tpu.memref_squeeze %dma_wait3A_242 : memref<1x!tpu.dma_semaphore, #tpu.memory_space<semaphore_mem>> -> memref<!tpu.dma_semaphore, #tpu.memory_space<semaphore_mem>>
    %dma_wait3A_244 = arith.constant 11520 : i32
    %dma_wait3A_245 = arith.constant 0 : i32
    %dma_wait3A_246 = tpu.memref_slice %arg3[%dma_wait3A_244, %dma_wait3A_245] : memref<12288x1000xf32, #tpu.memory_space<any>> -> memref<256x1000xf32, #tpu.memory_space<any>>
    %dma_wait3A_247 = arith.constant 256 : i32
    %dma_wait3A_248 = arith.constant 0 : i32
    %dma_wait3A_249 = tpu.memref_slice %arg6[%dma_wait3A_240, %dma_wait3A_247, %dma_wait3A_248] : memref<4x512x1000xf32, #tpu.memory_space<vmem>> -> memref<1x256x1000xf32, #tpu.memory_space<vmem>>
    %dma_wait3A_250 = tpu.memref_squeeze %dma_wait3A_249 : memref<1x256x1000xf32, #tpu.memory_space<vmem>> -> memref<256x1000xf32, #tpu.memory_space<vmem>>
    tpu.wait_dma2 semaphore(%dma_wait3A_243 : memref<!tpu.dma_semaphore, #tpu.memory_space<semaphore_mem>>) src(%dma_wait3A_250 : memref<256x1000xf32, #tpu.memory_space<vmem>>) dst(%dma_wait3A_246 : memref<256x1000xf32, #tpu.memory_space<any>>)
    %dma_wait3A_251 = arith.constant 3 : i32
    %dma_wait3A_252 = arith.constant 3 : i32
    %dma_wait3A_253 = tpu.memref_slice %arg9[%dma_wait3A_252] : memref<4x!tpu.dma_semaphore, #tpu.memory_space<semaphore_mem>> -> memref<1x!tpu.dma_semaphore, #tpu.memory_space<semaphore_mem>>
    %dma_wait3A_254 = tpu.memref_squeeze %dma_wait3A_253 : memref<1x!tpu.dma_semaphore, #tpu.memory_space<semaphore_mem>> -> memref<!tpu.dma_semaphore, #tpu.memory_space<semaphore_mem>>
    %dma_wait3A_255 = arith.constant 11776 : i32
    %dma_wait3A_256 = arith.constant 0 : i32
    %dma_wait3A_257 = tpu.memref_slice %arg3[%dma_wait3A_255, %dma_wait3A_256] : memref<12288x1000xf32, #tpu.memory_space<any>> -> memref<256x1000xf32, #tpu.memory_space<any>>
    %dma_wait3A_258 = arith.constant 0 : i32
    %dma_wait3A_259 = arith.constant 0 : i32
    %dma_wait3A_260 = tpu.memref_slice %arg6[%dma_wait3A_251, %dma_wait3A_258, %dma_wait3A_259] : memref<4x512x1000xf32, #tpu.memory_space<vmem>> -> memref<1x256x1000xf32, #tpu.memory_space<vmem>>
    %dma_wait3A_261 = tpu.memref_squeeze %dma_wait3A_260 : memref<1x256x1000xf32, #tpu.memory_space<vmem>> -> memref<256x1000xf32, #tpu.memory_space<vmem>>
    tpu.wait_dma2 semaphore(%dma_wait3A_254 : memref<!tpu.dma_semaphore, #tpu.memory_space<semaphore_mem>>) src(%dma_wait3A_261 : memref<256x1000xf32, #tpu.memory_space<vmem>>) dst(%dma_wait3A_257 : memref<256x1000xf32, #tpu.memory_space<any>>)
    %dma_wait3A_262 = arith.constant 3 : i32
    %dma_wait3A_263 = arith.constant 3 : i32
    %dma_wait3A_264 = tpu.memref_slice %arg9[%dma_wait3A_263] : memref<4x!tpu.dma_semaphore, #tpu.memory_space<semaphore_mem>> -> memref<1x!tpu.dma_semaphore, #tpu.memory_space<semaphore_mem>>
    %dma_wait3A_265 = tpu.memref_squeeze %dma_wait3A_264 : memref<1x!tpu.dma_semaphore, #tpu.memory_space<semaphore_mem>> -> memref<!tpu.dma_semaphore, #tpu.memory_space<semaphore_mem>>
    %dma_wait3A_266 = arith.constant 12032 : i32
    %dma_wait3A_267 = arith.constant 0 : i32
    %dma_wait3A_268 = tpu.memref_slice %arg3[%dma_wait3A_266, %dma_wait3A_267] : memref<12288x1000xf32, #tpu.memory_space<any>> -> memref<256x1000xf32, #tpu.memory_space<any>>
    %dma_wait3A_269 = arith.constant 256 : i32
    %dma_wait3A_270 = arith.constant 0 : i32
    %dma_wait3A_271 = tpu.memref_slice %arg6[%dma_wait3A_262, %dma_wait3A_269, %dma_wait3A_270] : memref<4x512x1000xf32, #tpu.memory_space<vmem>> -> memref<1x256x1000xf32, #tpu.memory_space<vmem>>
    %dma_wait3A_272 = tpu.memref_squeeze %dma_wait3A_271 : memref<1x256x1000xf32, #tpu.memory_space<vmem>> -> memref<256x1000xf32, #tpu.memory_space<vmem>>
    tpu.wait_dma2 semaphore(%dma_wait3A_265 : memref<!tpu.dma_semaphore, #tpu.memory_space<semaphore_mem>>) src(%dma_wait3A_272 : memref<256x1000xf32, #tpu.memory_space<vmem>>) dst(%dma_wait3A_268 : memref<256x1000xf32, #tpu.memory_space<any>>)
    return
  }
}

</mosaic_0001>

<sc_bundles>
// kernel: kernel.4.cloned.1.call-start
scs
__scs_entry_jumppad:
0x0: {  	(pc) =	sbr.rel $0x88, $3  }
0x1: {  	(tag) =	ssettag $0x0;
	lr =	simm.s32 $0x1  }
0x2: {  	[smem:$0x3F9D] =	sst lr;
	_ =	strace $0xD0000000  }
0x3: {  	_ = 	snop  }
0x4: {  	_ = 	snop  }
0x5: {  	_ = 	snop  }
0x6: {  	_ = 	snop  }
0x7: {  	_ = 	snop  }
__scs_overlays_trampoline_lowered:
0x8: {  	[smem:$0x3FAC] =	sst s0  }
0x9: {  	[smem:$0x3FAD] =	sst s1  }
0xa: {  	[smem:$0x3FAE] =	sst s2  }
0xb: {  	[smem:$0x3FAF] =	sst s3  }
0xc: {  	[smem:$0x3FB0] =	sst s4  }
0xd: {  	[smem:$0x3FB1] =	sst s5  }
0xe: {  	[smem:$0x3FB2] =	sst s6  }
0xf: {  	[smem:$0x3FB3] =	sst s7  }
0x10: {  	[smem:$0x3FB4] =	sst s8  }
0x11: {  	[smem:$0x3FB5] =	sst s9;
	s0 =	simm.s32 @!p0 $0x0  }
0x12: {  	s1 =	sld [smem:$0x3F9B];
	s0 =	simm.s32 @p0 $0x1  }
0x13: {  	[smem:$0x3FB6] =	sst s0;
	s0 =	simm.s32 @!p1 $0x0  }
0x14: {  	s2 =	sld [smem:$0x3F9A];
	s0 =	simm.s32 @p1 $0x1  }
0x15: {  	[smem:$0x3FB7] =	sst s0;
	s0 =	simm.s32 @!p2 $0x0  }
0x16: {  	s3 =	sld [smem:$0x3FDB];
	s0 =	simm.s32 @p2 $0x1  }
0x17: {  	s4 =	simm.s32 $0x1BF5;
	[smem:$0x3FB9] =	sst s0  }
0x18: {  	s0 =	sld [smem:$0x3F9C];
	_ =	swait.ge [sflag:s4], $0x0  }
0x19: {  	s7 =	sld [smem:$0x3F9D]  }
0x1a: {  	s8 =	sadd.s32 $0xFFFFE003, lr  }
0x1b: {  	s9 =	sadd.s32 $0xFFFFFEF7, lr;
	s5 =	simm.s32 $0xFFFFFFFF;
	p2 =	slt.u32 s8, $0xFFFFF086  }
0x1c: {  	p1 =	slt.u32 s9, $0xF7A;
	s5 =	simm.s32 @!p2 $0x0  }
0x1d: {  	s5 =	simm.s32 @p1 $0x1;
	p0 =	seq.s32 s7, s2  }
0x1e: {  	s7 =	smul.u32 @!p0 $0xF7A, s2;
	p2 =	seq.s32 @!p0 s5, $0x0  }
0x1f: {  	s9 =	smul.u32 $0xF7A, s1;
	s8 =	simm.s32 @!p0 $0x1BF5;
	p2 =	por !p2, p0  }
0x20: {  	[sflag:s8] =	ssyncset.s32 @!p0 $0xFFFFF086;
	s6 =	sadd.s32 @!p0 s3, s7;
	s7 =	simm.s32 @!p0 $0x108  }
0x21: {  	s3 =	sadd.s32 s3, s9;
	s6 =	sadd.s32 @!p0 $0x88, s6;
	s7 =	simm.s32 @p2 $0x1082  }
0x22: {  	[simem:s7], [sflag:s8] =	dma.local @!p0 [hbm:s6], $0xF7A  }
0x23: {  	s9 =	sor.u32 $0xD0000000, s2;
	s6 =	simm.s32 $0x108;
	_ =	swait.ge @!p0 [sflag:s8], $0x0  }
0x24: {  	s3 =	sadd.s32 $0x88, s3;
	s6 =	simm.s32 @!p1 $0x1082;
	[sflag:s4] =	ssyncset.s32 $0xFFFFF086  }
0x25: {  	[simem:s6], [sflag:s4] =	dma.local [hbm:s3], $0xF7A  }
0x26: {  	[smem:$0x3F9D] =	sst s1;
	(tag) =	ssettag s2;
	_ =	strace s9  }
0x27: {  	s1 =	sld [smem:$0x3FAD]  }
0x28: {  	s2 =	sld [smem:$0x3FAE]  }
0x29: {  	s4 =	sld [smem:$0x3FB0]  }
0x2a: {  	p0 =	seq.s32 s5, $0x0;
	s5 =	sld [smem:$0x3FB1]  }
0x2b: {  	s6 =	sld [smem:$0x3FB2]  }
0x2c: {  	s7 =	sld [smem:$0x3FB3]  }
0x2d: {  	s3 =	simm.s32 $0x108;
	s8 =	sld [smem:$0x3FB4]  }
0x2e: {  	s3 =	simm.s32 @!p0 $0x1082;
	s9 =	sld [smem:$0x3FB5]  }
0x2f: {  	lr =	sadd.s32 s0, s3;
	s0 =	sld [smem:$0x3FAC]  }
0x30: {  	s3 =	sld [smem:$0x3FAF]  }
0x31: {  	[smem:$0x3FB8] =	sst s10  }
0x32: {  	s10 =	sld [smem:$0x3FB6];
	_ =	sdelay $0x3  }
0x33: {  	p0 =	seq.s32 s10, $0x1;
	s10 =	sld [smem:$0x3FB8];
	_ =	sdelay $0x3  }
0x34: {  	[smem:$0x3FB8] =	sst s10  }
0x35: {  	s10 =	sld [smem:$0x3FB7];
	_ =	sdelay $0x3  }
0x36: {  	p1 =	seq.s32 s10, $0x1;
	s10 =	sld [smem:$0x3FB8];
	_ =	sdelay $0x3  }
0x37: {  	[smem:$0x3FB8] =	sst s10  }
0x38: {  	s10 =	sld [smem:$0x3FB9]  }
0x39: {  	_ = 	snop;
	(pc) =	sbr.ind lr, $3  }
0x3a: {  	_ = 	snop  }
0x3b: {  	_ = 	snop  }
0x3c: {  	p2 =	seq.s32 s10, $0x1;
	s10 =	sld [smem:$0x3FB8]  }
0x3d: {  	_ =	shalt  }
0x3e: {  	_ =	shalt  }
0x3f: {  	_ =	shalt  }
0x40: {  	_ =	shalt  }
0x41: {  	_ =	shalt  }
0x42: {  	_ =	shalt  }
0x43: {  	_ =	shalt  }
0x44: {  	_ =	shalt  }
0x45: {  	_ =	shalt  }
0x46: {  	_ =	shalt  }
0x47: {  	_ =	shalt  }
0x48: {  	_ =	shalt  }
0x49: {  	_ =	shalt  }
0x4a: {  	_ =	shalt  }
0x4b: {  	_ =	shalt  }
0x4c: {  	_ =	shalt  }
0x4d: {  	_ =	shalt  }
0x4e: {  	_ =	shalt  }
0x4f: {  	_ =	shalt  }
0x50: {  	_ =	shalt  }
0x51: {  	_ =	shalt  }
0x52: {  	_ =	shalt  }
0x53: {  	_ =	shalt  }
0x54: {  	_ =	shalt  }
0x55: {  	_ =	shalt  }
0x56: {  	_ =	shalt  }
0x57: {  	_ =	shalt  }
0x58: {  	_ =	shalt  }
0x59: {  	_ =	shalt  }
0x5a: {  	_ =	shalt  }
0x5b: {  	_ =	shalt  }
0x5c: {  	_ =	shalt  }
0x5d: {  	_ =	shalt  }
0x5e: {  	_ =	shalt  }
0x5f: {  	_ =	shalt  }
0x60: {  	_ =	shalt  }
0x61: {  	_ =	shalt  }
0x62: {  	_ =	shalt  }
0x63: {  	_ =	shalt  }
0x64: {  	_ =	shalt  }
0x65: {  	_ =	shalt  }
0x66: {  	_ =	shalt  }
0x67: {  	_ =	shalt  }
0x68: {  	_ =	shalt  }
0x69: {  	_ =	shalt  }
0x6a: {  	_ =	shalt  }
0x6b: {  	_ =	shalt  }
0x6c: {  	_ =	shalt  }
0x6d: {  	_ =	shalt  }
0x6e: {  	_ =	shalt  }
0x6f: {  	_ =	shalt  }
0x70: {  	_ =	shalt  }
0x71: {  	_ =	shalt  }
0x72: {  	_ =	shalt  }
0x73: {  	_ =	shalt  }
0x74: {  	_ =	shalt  }
0x75: {  	_ =	shalt  }
0x76: {  	_ =	shalt  }
0x77: {  	_ =	shalt  }
0x78: {  	_ =	shalt  }
0x79: {  	_ =	shalt  }
0x7a: {  	_ =	shalt  }
0x7b: {  	_ =	shalt  }
0x7c: {  	_ =	shalt  }
0x7d: {  	_ =	shalt  }
0x7e: {  	_ =	shalt  }
0x7f: {  	_ =	shalt  }
0x80: {  	_ =	shalt  }
0x81: {  	_ =	shalt  }
0x82: {  	_ =	shalt  }
0x83: {  	_ =	shalt  }
0x84: {  	_ =	shalt  }
0x85: {  	_ =	shalt  }
0x86: {  	_ =	shalt  }
0x87: {  	_ =	shalt  }
.Lfunc_end0:
.L_simem_size_0:
called_computation_lowered:
.L_overlay_start_0:
0x88: {  	s2 =	sld [smem:$0x3FD9]  }
0x89: {  	s3 =	sld [smem:$0x3FFE];
	_ =	sdelay $0x1  }
0x8a: {  	s1 =	srdreg.scid  }
0x8b: {  	s0 =	sand.u32 $0x1, s1  }
0x8c: {  	s18 =	sshll.u32 s0, $0xA;
	s2 =	sadd.s32 s3, s2  }
0x8d: {  	s2 =	sadd.s32 s2, s18  }
0x8e: {  	[smem:$0x3FC4] =	sst s2  }
0x8f: {  	_ = 	snop  }
0x90: {  	s2 =	sld [smem:$0x3FC8]  }
0x91: {  	s19 =	sld [smem:$0x3FC6]  }
0x92: {  	s4 =	sld [smem:$0x3FD0];
	(tm) =	ssettm $0x1  }
0x93: {  	s5 =	sld [smem:$0x3FFB];
	_ =	sdelay $0x3  }
0x94: {  	_ =	strace s5  }
0x95: {  	s5 =	sld [smem:$0x3FFC];
	_ =	sdelay $0x3  }
0x96: {  	_ =	strace s5  }
0x97: {  	s5 =	sld [smem:$0x3FFD];
	_ =	sdelay $0x3  }
0x98: {  	_ =	strace s5  }
0x99: {  	_ =	strace $0x8FFFFFFF  }
0x9a: {  	s20 =	sld [smem:$0x3FDB];
	_ =	sdelay $0x1  }
0x9b: {  	s6 =	simm.s32 $_scs_section_size  }
0x9c: {  	s7 =	simm.s32 $_size__tile_overlayer_lowered;
	s8 =	simm.s32 $_tile_overlayer_lowered  }
0x9d: {  	s23 =	simm.s32 $0x1BFF;
	s22 =	sshll.u32 s8, $0x1;
	s5 =	sadd.s32 s6, s20  }
0x9e: {  	s9 =	simm.s32 $0x0;
	s21 =	sshll.u32 s7, $0x1;
	s7 =	sadd.s32 s22, s5  }
0x9f: {  	[timem:s9], [sflag:s23] =	dma.local [hbm:s7], s21  }
0xa0: {  	_ =	swait.ge [sflag:s23], s21  }
0xa1: {  	s6 =	ssub.s32 $0x0, s21;
	[sflag:s23] =	ssyncset.done $0x0  }
0xa2: {  	[sflag:s23] =	ssyncadd.s32 s6;
	_ =	sdelay $0x1  }
0xa3: {  	s24 =	simm.s32 $0x1B8B  }
0xa4: {  	_ =	swait.ge [sflag:s24], $0x1  }
0xa5: {  	[sflag:s24] =	ssyncset.done $0x0  }
0xa6: {  	s25 =	simm.s32 $0x1B8E;
	[sflag:s24] =	ssyncadd.s32 $0xFFFFFFFF  }
0xa7: {  	s26 =	simm.s32 $execute0_lowered;
	[smem:$0x3FD2] =	sst s25  }
0xa8: {  	s6 =	sshll.u32 s26, $0x1;
	_ =	strace $0x80000046;
	[dreg:$0x1] =	wrdreg $0xFFFFFFFF  }
0xa9: {  	s28 =	simm.s32 $_size_execute0_lowered;
	s5 =	sadd.s32 s5, s6;
	[dreg:$0x0] =	wrdreg $0x0  }
0xaa: {  	s6 =	sshll.u32 s28, $0x1;
	[dreg:$0x2] =	wrdreg s5  }
0xab: {  	[dreg:$0x3] =	wrdreg s6  }
0xac: {  	[dreg:$0x4] =	wrdreg $0xC0  }
0xad: {  	_ =	task [dreg:s9], $0x5FFFF  }
0xae: {  	[dreg:$0x1] =	wrdreg $0xFFFFFFFF  }
0xaf: {  	[dreg:$0x0] =	wrdreg $0x60  }
0xb0: {  	[dreg:$0x2] =	wrdreg s19  }
0xb1: {  	[dreg:$0x3] =	wrdreg s2  }
0xb2: {  	[dreg:$0x4] =	wrdreg s4  }
0xb3: {  	[dreg:$0x5] =	wrdreg $0x9  }
0xb4: {  	_ =	task.clear_ibuf [dreg:s9], $0x6FFFF;
	_ =	strace $0x90000046  }
0xb5: {  	s29 =	simm.s32 $0x9;
	_ =	strace $0x80000048  }
0xb6: {  	_ =	swait.ge [sflag:s29], $0x1  }
0xb7: {  	[sflag:s29] =	ssyncadd.s32 $0xFFFFFFFF  }
0xb8: {  	_ =	strace $0x90000048  }
0xb9: {  	_ =	sfence  }
0xba: {  	s30 =	sld [smem:$0x0];
	_ =	sdelay $0x2  }
0xbb: {  	s31 =	sshll.u32 s1, $0xD;
	s1 =	sshrl.u32 s1, $0x2  }
0xbc: {  	s3 =	sand.u32 $0x4000, s31;
	s1 =	sadd.s32 s1, s30  }
0xbd: {  	s0 =	sor.u32 s3, s0;
	s1 =	sshll.u32 s1, $0x11  }
0xbe: {  	s0 =	sor.u32 s1, s0  }
0xbf: {  	s0 =	sadd.s32 $0x8F2B, s0  }
0xc0: {  	[sflag:s0] =	ssyncadd.remote.s32 $0x1  }
0xc1: {  	_ =	sfence.sel $0xFFFF  }
0xc2: {  	[dreg:$0x0] =	wrdreg $0xFFFFFFFF;
	(pc) =	sbr.abs _section_cstart, $3  }
0xc3: {  	[dreg:$0x1] =	wrdreg $0xFFFFFFFF  }
0xc4: {  	_ =	task.clear_ibuf [dreg:s9], $0x2FFFF;
	_ =	strace $0x9FFFFFFF  }
0xc5: {  	(tm) =	ssettm $0x7FFFFFFF  }
tec
execute0_lowered:
.L_overlay_start_1:
0x0: {  	(tag) =	ssettag $0x1  }
0x1: {  	s1 =	srdreg.scid;
	s0 =	stileid.u32  }
0x2: {  	s6 =	sand.u32 $0x1, s1;
	s5 =	sshll.u32 s0, $0x1  }
0x3: {  	s5 =	sor.u32 s6, s5  }
0x4: {  	p0 =	sgt.u32 s5, $0x18  }
.Ltmp0:
0x5: {  	s2 =	rddreg [dreg:$0x0];
	(pc) =	sbr.rel @p0 .LBB2_4-.Ltmp0, $4  }
0x6: {  	s4 =	rddreg [dreg:$0x1]  }
0x7: {  	s9 =	rddreg [dreg:$0x2];
	s3 =	simm.s32 $0x0  }
0x8: {  	[smem:$0x7FF] =	sst s3  }
0x9: {  	s1 =	rddreg [dreg:$0x3];
	_ =	strace $0x80000047  }
0xa: {  	s10 =	smul.u32 $0x5, s5;
	_ =	sdelay $0x1  }
0xb: {  	s11 =	ssub.s32 $0x2, s6;
	s5 =	sadd.s32 s4, s10;
	s4 =	simm.s32 $0x2  }
0xc: {  	[tilespmem:s3], [sflag:$0x2] =	stream.linear.gather [hbm4b:s5+s3], $0x28, $0x38;
	[tilespmem:$0x100] =	vst v63  }
0xd: {  	s6 =	simm.s32 $0x28;
	s12 =	sshrl.u32 s11, $0x1;
	_ =	swait.ge [sflag:s4], $0x28  }
0xe: {  	s7 =	simm.s32 $0x80;
	s11 =	ssub.s32 s11, s12;
	[sflag:s4] =	ssyncset.done $0x0  }
0xf: {  	s8 =	simm.s32 $0x1;
	s31 =	smax.u32 s11, $0x1;
	[sflag:s4] =	ssyncadd.s32 $0xFFFFFFD8  }
0x10: {  	[tilespmem:s7], [sflag:$0x1] =	stream.indirect.gather [hbm4b:s2+s6], $0x1, s3, s6, $0xb8;
	[tilespmem:$0x100] =	vst v63  }
0x11: {  	p0 =	sne.s32 s31, $0x1;
	_ =	swait.ge [sflag:s8], $0x28  }
.Ltmp1:
0x12: {  	[sflag:s8] =	ssyncset.done $0x0;
	(pc) =	sbr.rel @!p0 .LBB2_3-.Ltmp1, $4  }
0x13: {  	s9 =	sadd.s32 s9, s10;
	[sflag:s8] =	ssyncadd.s32 $0xFFFFFFD8  }
0x14: {  	[hbm4b:s9+s3] =	stream.linear.scatter [tilespmem:s7], [sflag:$0x2], $0x28, $0x38;
	[tilespmem:$0x100] =	vst v63  }
0x15: {  	_ =	swait.ge [sflag:s4], $0x28  }
0x16: {  	s10 =	sadd.s32 $0xFFFFFFFF, s31;
	[sflag:s4] =	ssyncset.done $0x0  }
.LBB2_2:
0x17: {  	p0 =	sne.s32 s10, $0x1;
	s10 =	sadd.s32 $0xFFFFFFFF, s10;
	[sflag:s4] =	ssyncadd.s32 $0xFFFFFFD8  }
0x18: {  	[tilespmem:s3], [sflag:$0x2] =	stream.linear.gather [hbm4b:s5+s3], $0x28, $0x38;
	[tilespmem:$0x100] =	vst v63  }
0x19: {  	_ =	swait.ge [sflag:s4], $0x28  }
0x1a: {  	[sflag:s4] =	ssyncset.done $0x0  }
0x1b: {  	[sflag:s4] =	ssyncadd.s32 $0xFFFFFFD8  }
0x1c: {  	[tilespmem:s7], [sflag:$0x1] =	stream.indirect.gather [hbm4b:s2+s6], $0x1, s3, s6, $0xb8;
	[tilespmem:$0x100] =	vst v63  }
0x1d: {  	_ =	swait.ge [sflag:s8], $0x28  }
.Ltmp2:
0x1e: {  	[sflag:s8] =	ssyncset.done $0x0;
	(pc) =	sbr.rel @p0 .LBB2_2-.Ltmp2, $4  }
0x1f: {  	[sflag:s8] =	ssyncadd.s32 $0xFFFFFFD8  }
0x20: {  	[hbm4b:s9+s3] =	stream.linear.scatter [tilespmem:s7], [sflag:$0x2], $0x28, $0x38;
	[tilespmem:$0x100] =	vst v63  }
0x21: {  	_ =	swait.ge [sflag:s4], $0x28  }
0x22: {  	[sflag:s4] =	ssyncset.done $0x0  }
.LBB2_3:
0x23: {  	[sflag:s4] =	ssyncadd.s32 $0xFFFFFFD8  }
.LBB2_4:
0x24: {  	_ =	sfence.sel $0x180000  }
0x25: {  	[bflag:$0x0] =	sbarrier.arrive $0xFFFF  }
0x26: {  	p0 =	sne.s32 s0, $0x0;
	_ =	strace $0x90000047  }
0x27: {  	s0 =	sadd.s32 @!p0 $0x100000, s1;
	[bflag:$0x2] =	sbarrier.arrive $0xFFFF  }
0x28: {  	[sflag:s0] =	ssyncadd.tile.s32 @!p0 $0x1;
	_ =	shalt  }
.Lfunc_end2:
_tile_overlayer_lowered:
.L_overlay_start_2:
0x29: {  	(tag) =	ssettag $0x2  }
0x2a: {  	s0 =	rddreg [dreg:$0x0];
	s2 =	stileid.u32  }
0x2b: {  	s1 =	rddreg [dreg:$0x1];
	p0 =	sne.s32 s2, $0x0  }
0x2c: {  	s3 =	rddreg [dreg:$0x2];
	[bflag:$0x3] =	sbarrier.arrive $0xFFFF;
	s2 =	simm.s32 @!p0 $0x1C02  }
0x2d: {  	[timem:s3], [sflag:s2] =	dma.local @!p0 [hbm:s0], s1  }
0x2e: {  	s0 =	simm.s32 @!p0 $0x2  }
0x2f: {  	_ =	swait.ge @!p0 [sflag:s0], s1  }
0x30: {  	s1 =	ssub.s32 @!p0 $0x0, s1;
	[sflag:s0] =	ssyncset.done @!p0 $0x0  }
0x31: {  	[sflag:s0] =	ssyncadd.s32 @!p0 s1  }
0x32: {  	[bflag:$0x3] =	sbarrier.arrive $0xFFFF  }
0x33: {  	_ =	shalt  }

</sc_bundles>
